<compile_context>
chip_gen: v7x
topology: tpu7x:2x2x1
jax: 0.10.2.dev20260603
libtpu: 0.0.44.dev20260713+nightly
codegen_flags: <defaults>
</compile_context>

<pallas_src>
import functools

import jax
import jax.numpy as jnp
from jax import lax
from jax.experimental import pallas as pl
from jax.experimental.pallas import tpu as pltpu
from jax.experimental.pallas import tpu_sc as plsc

_ALPHA = 0.0001
_MARGIN = 100.0
_K = 3
_NC, _B, _T, _F = 2, 16, 4096, 256
_L = 16
_NEG = -3.0e38
_BIGI = 1 << 30
_S = 4


def _sc_body(amag_hbm, nmag_hbm, asls_hbm, nsls_hbm, afl_hbm, nfl_hbm,
             out_hbm, magn_v, sls_v, idx_v, rows_a, rows_n,
             out_v, sem_m0, sem_m1, sem_s0, sem_s1, sem_a, sem_n):
    cid = lax.axis_index("c")
    sid = lax.axis_index("s")
    wid = sid * 2 + cid
    t = wid // _B
    b = wid % _B
    lane = jnp.arange(_L, dtype=jnp.int32)

    pltpu.async_copy(amag_hbm.at[b], magn_v.at[pl.ds(0, _T)], sem_m0)
    pltpu.async_copy(nmag_hbm.at[b], magn_v.at[pl.ds(_T, _T)], sem_m1)
    pltpu.async_copy(asls_hbm.at[b], sls_v.at[pl.ds(0, _T)], sem_s0)
    pltpu.async_copy(nsls_hbm.at[b], sls_v.at[pl.ds(_T, _T)], sem_s1)
    toff = t * _T
    pltpu.make_async_copy(amag_hbm.at[b], magn_v.at[pl.ds(0, _T)],
                          sem_m0).wait()
    pltpu.make_async_copy(nmag_hbm.at[b], magn_v.at[pl.ds(_T, _T)],
                          sem_m1).wait()

    def body(i, carry):
        sets = [list(carry[6 * s:6 * s + 6]) for s in range(_S)]
        base = i * (_S * _L)
        for s in range(_S):
            t1v, t1i, t2v, t2i, t3v, t3i = sets[s]
            br = base + s * _L
            v = magn_v[pl.ds(toff + br, _L)]
            gi = br + lane
            gt1 = v > t1v
            gt2 = v > t2v
            gt3 = v > t3v
            n1v = jnp.where(gt1, v, t1v)
            n1i = jnp.where(gt1, gi, t1i)
            n2v = jnp.where(gt1, t1v, jnp.where(gt2, v, t2v))
            n2i = jnp.where(gt1, t1i, jnp.where(gt2, gi, t2i))
            n3v = jnp.where(gt2, t2v, jnp.where(gt3, v, t3v))
            n3i = jnp.where(gt2, t2i, jnp.where(gt3, gi, t3i))
            sets[s] = [n1v, n1i, n2v, n2i, n3v, n3i]
        return tuple(x for st in sets for x in st)

    neg = jnp.full((_L,), _NEG, jnp.float32)
    zer = jnp.zeros((_L,), jnp.int32)
    carry = plsc.parallel_loop(
        0, _T // (_S * _L), unroll=2,
        carry=(neg, zer, neg, zer, neg, zer) * _S)(body)
    sets = [list(carry[6 * s:6 * s + 6]) for s in range(_S)]

    picks = []
    for r in range(_K):
        mv = sets[0][0]
        for s in range(1, _S):
            mv = jnp.maximum(mv, sets[s][0])
        m = jnp.max(mv)
        cand = jnp.full((_L,), _BIGI, jnp.int32)
        for s in range(_S):
            cand = jnp.minimum(cand,
                               jnp.where(sets[s][0] == m, sets[s][1], _BIGI))
        gidx = jnp.min(cand)
        picks.append(gidx)
        if r < _K - 1:
            for s in range(_S):
                t1v, t1i, t2v, t2i, t3v, t3i = sets[s]
                hit = (t1v == m) & (t1i == gidx)
                sets[s] = [jnp.where(hit, t2v, t1v), jnp.where(hit, t2i, t1i),
                           jnp.where(hit, t3v, t2v), jnp.where(hit, t3i, t2i),
                           jnp.where(hit, _NEG, t3v), t3i]
    i0, i1, i2 = picks

    r0 = b * _T
    r1 = (_B + b) * _T
    fidx = jnp.where(lane == 0, r0 + i0,
           jnp.where(lane == 1, r0 + i1,
           jnp.where(lane == 2, r0 + i2,
           jnp.where(lane == 3, r1 + i0,
           jnp.where(lane == 4, r1 + i1,
           jnp.where(lane == 5, r1 + i2, r0 + i0))))))
    plsc.store_scatter(idx_v, [lane], fidx, mask=lane < 8)

    cp_a = pltpu.async_copy(afl_hbm.at[idx_v], rows_a, sem_a)
    cp_n = pltpu.async_copy(nfl_hbm.at[idx_v], rows_n, sem_n)

    tmask = jnp.full((_L,), 0, jnp.int32) + t == 0

    pltpu.make_async_copy(asls_hbm.at[b], sls_v.at[pl.ds(0, _T)],
                          sem_s0).wait()
    pltpu.make_async_copy(nsls_hbm.at[b], sls_v.at[pl.ds(_T, _T)],
                          sem_s1).wait()
    sv = plsc.load_gather(
        sls_v, [toff + jnp.where(lane == 0, i0,
                       jnp.where(lane == 1, i1, i2))])
    vls = jnp.sum(jnp.where(lane < _K, sv, 0.0)) * jnp.float32(1.0 / _K)

    cp_a.wait()
    cp_n.wait()

    third = jnp.float32(1.0 / 3.0)

    def fbody(c, carry):
        a0, a1 = carry
        s = pl.ds(c * _L, _L)

        def pick(r):
            return jnp.where(tmask, rows_a[r, s], rows_n[r, s])

        m0 = (pick(0) + pick(1) + pick(2)) * third
        m1 = (pick(3) + pick(4) + pick(5)) * third
        return a0 + m0 * m0, a1 + m1 * m1

    zf = jnp.zeros((_L,), jnp.float32)
    acc0, acc1 = lax.fori_loop(0, _F // _L, fbody, (zf, zf))
    ssq0 = jnp.sum(acc0)
    ssq1 = jnp.sum(acc1)

    out_v[...] = jnp.where(lane == 0, ssq0,
                 jnp.where(lane == 1, ssq1,
                 jnp.where(lane == 2, vls, 0.0)))
    pltpu.sync_copy(out_v, out_hbm.at[t, b])


_sc_call = functools.partial(
    pl.kernel,
    mesh=plsc.VectorSubcoreMesh(core_axis_name="c", subcore_axis_name="s",
                                num_cores=2, num_subcores=16),
    out_type=jax.ShapeDtypeStruct((_NC, _B, _L), jnp.float32),
    scratch_types=[
        pltpu.VMEM((2 * _T,), jnp.float32),
        pltpu.VMEM((2 * _T,), jnp.float32),
        pltpu.VMEM((8,), jnp.int32),
        pltpu.VMEM((8, _F), jnp.float32),
        pltpu.VMEM((8, _F), jnp.float32),
        pltpu.VMEM((_L,), jnp.float32),
        pltpu.SemaphoreType.DMA,
        pltpu.SemaphoreType.DMA,
        pltpu.SemaphoreType.DMA,
        pltpu.SemaphoreType.DMA,
        pltpu.SemaphoreType.DMA,
        pltpu.SemaphoreType.DMA,
    ],
    compiler_params=pltpu.CompilerParams(needs_layout_passes=False),
)(_sc_body)


def _tc_body(x_ref, o_ref):
    x = x_ref[...]
    la = jnp.abs(_MARGIN - jnp.sqrt(x[0, :, 0:2]))
    ln = jnp.sqrt(x[1, :, 0:2])
    loss_rtfm = jnp.mean((la + ln) ** 2)
    vls_abn = x[0, :, 2]
    vls_norm = x[1, :, 2]
    bcea = -jnp.mean(jnp.maximum(jnp.log(vls_abn), -100.0))
    bcen = -jnp.mean(jnp.maximum(jnp.log(1.0 - vls_norm), -100.0))
    o_ref[0] = _ALPHA * loss_rtfm
    o_ref[1] = bcea + bcen


_tc_call = pl.pallas_call(
    _tc_body,
    out_shape=jax.ShapeDtypeStruct((2,), jnp.float32),
    out_specs=pl.BlockSpec(memory_space=pltpu.SMEM),
)


def kernel(abnr_feat_magn, norm_feat_magn, abnr_feats, norm_feats,
           abnr_sls, norm_sls, ldata):
    afl = abnr_feats.reshape(_NC * _B * _T, _F)
    nfl = norm_feats.reshape(_NC * _B * _T, _F)
    part = _sc_call(abnr_feat_magn, norm_feat_magn, abnr_sls, norm_sls,
                    afl, nfl)
    return _tc_call(part)

# --- scband reference (transcript-rebuilt; emitter-appended) ---
"""Pipeline reference for scband-rtfml-55284819034748 (READ-ONLY COPY).

The authoritative reference and input builder live on the scoring server;
editing this copy changes nothing except your own understanding.
"""

import jax, jax.numpy as jnp
import numpy as np

ALPHA = 0.0001
MARGIN = 100.0
K = 3

NC, B, T, F = 2, 16, 4096, 256


def setup_inputs(seed: int = 0) -> dict:
    key = jax.random.key(seed)
    ks = jax.random.split(key, 6)
    return {
        "abnr_feat_magn": jax.random.uniform(ks[0], (B, T), dtype=jnp.float32),
        "norm_feat_magn": jax.random.uniform(ks[1], (B, T), dtype=jnp.float32),
        "abnr_feats": jax.random.normal(ks[2], (NC, B, T, F), dtype=jnp.float32),
        "norm_feats": jax.random.normal(ks[3], (NC, B, T, F), dtype=jnp.float32),
        "abnr_sls": jax.random.uniform(ks[4], (B, T), dtype=jnp.float32),
        "norm_sls": jax.random.uniform(ks[5], (B, T), dtype=jnp.float32),
        "ldata": jnp.zeros((1,), dtype=jnp.float32),
    }


def _get_topk(feat_magn, k):
    # dropout layer is identity in eval mode; feat_magn_drop == feat_magn
    _, idx = jax.lax.top_k(feat_magn, k)  # (bag, k)
    return idx


def _gather_feats(feats, idx):
    nc, b, t, f = feats.shape
    k = idx.shape[1]
    idx_b = jnp.broadcast_to(idx[None, :, :, None], (nc, b, k, f))
    feats_sel = jnp.take_along_axis(feats, idx_b, axis=2)  # (nc, b, k, f)
    # torch.cat over ncrops dim -> (nc*b, k, f)
    return feats_sel.reshape(nc * b, k, f)


def reference(abnr_feat_magn, norm_feat_magn, abnr_feats, norm_feats, abnr_sls, norm_sls, ldata):
    idx_abnr = _get_topk(abnr_feat_magn, K)
    idx_norm = _get_topk(norm_feat_magn, K)

    afeat = jnp.mean(_gather_feats(abnr_feats, idx_abnr), axis=1)  # (nc*b, f)
    l2norm_abn = jnp.linalg.norm(afeat, ord=2, axis=1)
    loss_abn = jnp.abs(MARGIN - l2norm_abn)

    nfeat = jnp.mean(_gather_feats(norm_feats, idx_norm), axis=1)
    loss_norm = jnp.linalg.norm(nfeat, ord=2, axis=1)

    loss_rtfm = jnp.mean((loss_abn + loss_norm) ** 2)

    sls_sel_abn = jnp.take_along_axis(abnr_sls, idx_abnr, axis=1)  # (b, k)
    vls_abn = jnp.mean(sls_sel_abn, axis=1)
    # BCE(p, 1) = -mean(log p), torch clamps log at -100
    loss_bcea = -jnp.mean(jnp.clip(jnp.log(vls_abn), -100.0, None))

    sls_sel_norm = jnp.take_along_axis(norm_sls, idx_norm, axis=1)
    vls_norm = jnp.mean(sls_sel_norm, axis=1)
    # BCE(p, 0) = -mean(log(1-p))
    loss_bcen = -jnp.mean(jnp.clip(jnp.log(1.0 - vls_norm), -100.0, None))

    loss_vls = loss_bcea + loss_bcen
    # dict{'loss_rtfm', 'loss_vls'} returned as a stacked 2-vector
    return jnp.stack([ALPHA * loss_rtfm, loss_vls])

if __name__ == "__main__":
    import jax
    _d = setup_inputs()
    print(jax.jit(kernel)(*tuple(_d.values())))

</pallas_src>

<mosaic_0001>
#map = affine_map<(d0, d1) -> (0, 0)>
#map1 = affine_map<(d0, d1) -> (0, 0, 0)>
module attributes {stable_mosaic.version = 14 : i64} {
  func.func @_sc_body(%arg0: i32, %arg1: i32, %arg2: memref<16x4096xf32, #tpu.memory_space<hbm>>, %arg3: memref<16x4096xf32, #tpu.memory_space<hbm>>, %arg4: memref<16x4096xf32, #tpu.memory_space<hbm>>, %arg5: memref<16x4096xf32, #tpu.memory_space<hbm>>, %arg6: memref<131072x256xf32, #tpu.memory_space<hbm>>, %arg7: memref<131072x256xf32, #tpu.memory_space<hbm>>, %arg8: memref<2x16x16xf32, #tpu.memory_space<hbm>>, %arg9: memref<8192xf32, #tpu.memory_space<vmem>>, %arg10: memref<8192xf32, #tpu.memory_space<vmem>>, %arg11: memref<8xi32, #tpu.memory_space<vmem>>, %arg12: memref<8x256xf32, #tpu.memory_space<vmem>>, %arg13: memref<8x256xf32, #tpu.memory_space<vmem>>, %arg14: memref<16xf32, #tpu.memory_space<vmem>>, %arg15: memref<!tpu.dma_semaphore, #tpu.memory_space<semaphore_mem>>, %arg16: memref<!tpu.dma_semaphore, #tpu.memory_space<semaphore_mem>>, %arg17: memref<!tpu.dma_semaphore, #tpu.memory_space<semaphore_mem>>, %arg18: memref<!tpu.dma_semaphore, #tpu.memory_space<semaphore_mem>>, %arg19: memref<!tpu.dma_semaphore, #tpu.memory_space<semaphore_mem>>, %arg20: memref<!tpu.dma_semaphore, #tpu.memory_space<semaphore_mem>>) attributes {dimension_semantics = [#tpu.dimension_semantics<core_parallel>, #tpu.dimension_semantics<subcore_parallel>], iteration_bounds = array<i64: 2, 16>, scalar_prefetch = 0 : i64, scratch_operands = 12 : i64, tpu.core_type = #tpu.core_type<sc_vector_subcore>, window_params = [{transform_indices = #map}, {transform_indices = #map}, {transform_indices = #map}, {transform_indices = #map}, {transform_indices = #map}, {transform_indices = #map}, {transform_indices = #map1}]} {
    %mul3A = arith.constant 2 : i32
    %mul3A_0 = arith.muli %arg1, %mul3A : i32
    %add3A = arith.addi %mul3A_0, %arg0 : i32
    %jit3A = arith.constant 16 : i32
    %div3A = arith.divsi %add3A, %jit3A : i32
    %sign3A = arith.constant 0 : i32
    %sign3A_1 = arith.cmpi sgt, %add3A, %sign3A : i32
    %sign3A_2 = arith.extui %sign3A_1 : i1 to i32
    %sign3A_3 = arith.constant 0 : i32
    %sign3A_4 = arith.cmpi slt, %add3A, %sign3A_3 : i32
    %sign3A_5 = arith.extui %sign3A_4 : i1 to i32
    %sign3A_6 = arith.subi %sign3A_2, %sign3A_5 : i32
    %sign3A_7 = arith.constant 0 : i32
    %sign3A_8 = arith.cmpi sgt, %jit3A, %sign3A_7 : i32
    %sign3A_9 = arith.extui %sign3A_8 : i1 to i32
    %sign3A_10 = arith.constant 0 : i32
    %sign3A_11 = arith.cmpi slt, %jit3A, %sign3A_10 : i32
    %sign3A_12 = arith.extui %sign3A_11 : i1 to i32
    %sign3A_13 = arith.subi %sign3A_9, %sign3A_12 : i32
    %ne3A = arith.cmpi ne, %sign3A_6, %sign3A_13 : i32
    %rem3A = arith.remsi %add3A, %jit3A : i32
    %ne3A_14 = arith.constant 0 : i32
    %ne3A_15 = arith.cmpi ne, %rem3A, %ne3A_14 : i32
    %and3A = arith.andi %ne3A, %ne3A_15 : i1
    %sub3A = arith.constant 1 : i32
    %sub3A_16 = arith.subi %div3A, %sub3A : i32
    %select_n3A = arith.select %and3A, %sub3A_16, %div3A : i32
    %jit3A_17 = arith.constant 16 : i32
    %eq3A = arith.constant 0 : i32
    %eq3A_18 = arith.cmpi eq, %jit3A_17, %eq3A : i32
    %jit3A_19 = arith.constant 1 : i32
    %select_n3A_20 = arith.select %eq3A_18, %jit3A_19, %jit3A_17 : i32
    %rem3A_21 = arith.remsi %add3A, %select_n3A_20 : i32
    %ne3A_22 = arith.constant 0 : i32
    %ne3A_23 = arith.cmpi ne, %rem3A_21, %ne3A_22 : i32
    %lt3A = arith.constant 0 : i32
    %lt3A_24 = arith.cmpi slt, %rem3A_21, %lt3A : i32
    %lt3A_25 = arith.constant 0 : i32
    %lt3A_26 = arith.cmpi slt, %select_n3A_20, %lt3A_25 : i32
    %ne3A_27 = arith.xori %lt3A_24, %lt3A_26 : i1
    %and3A_28 = arith.andi %ne3A_27, %ne3A_23 : i1
    %add3A_29 = arith.addi %rem3A_21, %select_n3A_20 : i32
    %select_n3A_30 = arith.select %and3A_28, %add3A_29, %rem3A_21 : i32
    %iota3A = tpu.iota {dimensions = array<i32: 0>} : vector<16xi32>
    %dma_start3A = arith.constant 0 : i32
    %dma_start3A_31 = tpu.memref_slice %arg9[%dma_start3A] : memref<8192xf32, #tpu.memory_space<vmem>> -> memref<4096xf32, #tpu.memory_space<vmem>>
    %dma_start3A_32 = arith.constant 0 : i32
    %dma_start3A_33 = tpu.memref_slice %arg2[%select_n3A_30, %dma_start3A_32] : memref<16x4096xf32, #tpu.memory_space<hbm>> -> memref<1x4096xf32, #tpu.memory_space<hbm>>
    %dma_start3A_34 = tpu.memref_squeeze %dma_start3A_33 : memref<1x4096xf32, #tpu.memory_space<hbm>> -> memref<4096xf32, #tpu.memory_space<hbm>>
    %dma_start3A_35 = arith.constant 0 : i32
    %dma_start3A_36 = tpu.memref_slice %arg9[%dma_start3A_35] : memref<8192xf32, #tpu.memory_space<vmem>> -> memref<4096xf32, #tpu.memory_space<vmem>>
    %dma_start3A_37 = arith.constant 0 : i32
    %dma_start3A_38 = tpu.memref_slice %arg2[%select_n3A_30, %dma_start3A_37] : memref<16x4096xf32, #tpu.memory_space<hbm>> -> memref<1x4096xf32, #tpu.memory_space<hbm>>
    %dma_start3A_39 = tpu.memref_squeeze %dma_start3A_38 : memref<1x4096xf32, #tpu.memory_space<hbm>> -> memref<4096xf32, #tpu.memory_space<hbm>>
    tpu.enqueue_dma source(%dma_start3A_39 : memref<4096xf32, #tpu.memory_space<hbm>>) target(%dma_start3A_36 : memref<4096xf32, #tpu.memory_space<vmem>>) target_semaphore(%arg15 : memref<!tpu.dma_semaphore, #tpu.memory_space<semaphore_mem>>)
    %dma_start3A_40 = arith.constant 4096 : i32
    %dma_start3A_41 = tpu.memref_slice %arg9[%dma_start3A_40] : memref<8192xf32, #tpu.memory_space<vmem>> -> memref<4096xf32, #tpu.memory_space<vmem>>
    %dma_start3A_42 = arith.constant 0 : i32
    %dma_start3A_43 = tpu.memref_slice %arg3[%select_n3A_30, %dma_start3A_42] : memref<16x4096xf32, #tpu.memory_space<hbm>> -> memref<1x4096xf32, #tpu.memory_space<hbm>>
    %dma_start3A_44 = tpu.memref_squeeze %dma_start3A_43 : memref<1x4096xf32, #tpu.memory_space<hbm>> -> memref<4096xf32, #tpu.memory_space<hbm>>
    %dma_start3A_45 = arith.constant 4096 : i32
    %dma_start3A_46 = tpu.memref_slice %arg9[%dma_start3A_45] : memref<8192xf32, #tpu.memory_space<vmem>> -> memref<4096xf32, #tpu.memory_space<vmem>>
    %dma_start3A_47 = arith.constant 0 : i32
    %dma_start3A_48 = tpu.memref_slice %arg3[%select_n3A_30, %dma_start3A_47] : memref<16x4096xf32, #tpu.memory_space<hbm>> -> memref<1x4096xf32, #tpu.memory_space<hbm>>
    %dma_start3A_49 = tpu.memref_squeeze %dma_start3A_48 : memref<1x4096xf32, #tpu.memory_space<hbm>> -> memref<4096xf32, #tpu.memory_space<hbm>>
    tpu.enqueue_dma source(%dma_start3A_49 : memref<4096xf32, #tpu.memory_space<hbm>>) target(%dma_start3A_46 : memref<4096xf32, #tpu.memory_space<vmem>>) target_semaphore(%arg16 : memref<!tpu.dma_semaphore, #tpu.memory_space<semaphore_mem>>)
    %dma_start3A_50 = arith.constant 0 : i32
    %dma_start3A_51 = tpu.memref_slice %arg10[%dma_start3A_50] : memref<8192xf32, #tpu.memory_space<vmem>> -> memref<4096xf32, #tpu.memory_space<vmem>>
    %dma_start3A_52 = arith.constant 0 : i32
    %dma_start3A_53 = tpu.memref_slice %arg4[%select_n3A_30, %dma_start3A_52] : memref<16x4096xf32, #tpu.memory_space<hbm>> -> memref<1x4096xf32, #tpu.memory_space<hbm>>
    %dma_start3A_54 = tpu.memref_squeeze %dma_start3A_53 : memref<1x4096xf32, #tpu.memory_space<hbm>> -> memref<4096xf32, #tpu.memory_space<hbm>>
    %dma_start3A_55 = arith.constant 0 : i32
    %dma_start3A_56 = tpu.memref_slice %arg10[%dma_start3A_55] : memref<8192xf32, #tpu.memory_space<vmem>> -> memref<4096xf32, #tpu.memory_space<vmem>>
    %dma_start3A_57 = arith.constant 0 : i32
    %dma_start3A_58 = tpu.memref_slice %arg4[%select_n3A_30, %dma_start3A_57] : memref<16x4096xf32, #tpu.memory_space<hbm>> -> memref<1x4096xf32, #tpu.memory_space<hbm>>
    %dma_start3A_59 = tpu.memref_squeeze %dma_start3A_58 : memref<1x4096xf32, #tpu.memory_space<hbm>> -> memref<4096xf32, #tpu.memory_space<hbm>>
    tpu.enqueue_dma source(%dma_start3A_59 : memref<4096xf32, #tpu.memory_space<hbm>>) target(%dma_start3A_56 : memref<4096xf32, #tpu.memory_space<vmem>>) target_semaphore(%arg17 : memref<!tpu.dma_semaphore, #tpu.memory_space<semaphore_mem>>)
    %dma_start3A_60 = arith.constant 4096 : i32
    %dma_start3A_61 = tpu.memref_slice %arg10[%dma_start3A_60] : memref<8192xf32, #tpu.memory_space<vmem>> -> memref<4096xf32, #tpu.memory_space<vmem>>
    %dma_start3A_62 = arith.constant 0 : i32
    %dma_start3A_63 = tpu.memref_slice %arg5[%select_n3A_30, %dma_start3A_62] : memref<16x4096xf32, #tpu.memory_space<hbm>> -> memref<1x4096xf32, #tpu.memory_space<hbm>>
    %dma_start3A_64 = tpu.memref_squeeze %dma_start3A_63 : memref<1x4096xf32, #tpu.memory_space<hbm>> -> memref<4096xf32, #tpu.memory_space<hbm>>
    %dma_start3A_65 = arith.constant 4096 : i32
    %dma_start3A_66 = tpu.memref_slice %arg10[%dma_start3A_65] : memref<8192xf32, #tpu.memory_space<vmem>> -> memref<4096xf32, #tpu.memory_space<vmem>>
    %dma_start3A_67 = arith.constant 0 : i32
    %dma_start3A_68 = tpu.memref_slice %arg5[%select_n3A_30, %dma_start3A_67] : memref<16x4096xf32, #tpu.memory_space<hbm>> -> memref<1x4096xf32, #tpu.memory_space<hbm>>
    %dma_start3A_69 = tpu.memref_squeeze %dma_start3A_68 : memref<1x4096xf32, #tpu.memory_space<hbm>> -> memref<4096xf32, #tpu.memory_space<hbm>>
    tpu.enqueue_dma source(%dma_start3A_69 : memref<4096xf32, #tpu.memory_space<hbm>>) target(%dma_start3A_66 : memref<4096xf32, #tpu.memory_space<vmem>>) target_semaphore(%arg18 : memref<!tpu.dma_semaphore, #tpu.memory_space<semaphore_mem>>)
    %mul3A_70 = arith.constant 4096 : i32
    %mul3A_71 = arith.muli %select_n3A, %mul3A_70 : i32
    %dma_wait3A = arith.constant 0 : i32
    %dma_wait3A_72 = tpu.memref_slice %arg9[%dma_wait3A] : memref<8192xf32, #tpu.memory_space<vmem>> -> memref<4096xf32, #tpu.memory_space<vmem>>
    %dma_wait3A_73 = arith.constant 0 : i32
    %dma_wait3A_74 = tpu.memref_slice %arg2[%select_n3A_30, %dma_wait3A_73] : memref<16x4096xf32, #tpu.memory_space<hbm>> -> memref<1x4096xf32, #tpu.memory_space<hbm>>
    %dma_wait3A_75 = tpu.memref_squeeze %dma_wait3A_74 : memref<1x4096xf32, #tpu.memory_space<hbm>> -> memref<4096xf32, #tpu.memory_space<hbm>>
    %dma_wait3A_76 = arith.constant 0 : i32
    %dma_wait3A_77 = tpu.memref_slice %arg9[%dma_wait3A_76] : memref<8192xf32, #tpu.memory_space<vmem>> -> memref<4096xf32, #tpu.memory_space<vmem>>
    %dma_wait3A_78 = arith.constant 0 : i32
    %dma_wait3A_79 = tpu.memref_slice %arg2[%select_n3A_30, %dma_wait3A_78] : memref<16x4096xf32, #tpu.memory_space<hbm>> -> memref<1x4096xf32, #tpu.memory_space<hbm>>
    %dma_wait3A_80 = tpu.memref_squeeze %dma_wait3A_79 : memref<1x4096xf32, #tpu.memory_space<hbm>> -> memref<4096xf32, #tpu.memory_space<hbm>>
    tpu.wait_dma2 semaphore(%arg15 : memref<!tpu.dma_semaphore, #tpu.memory_space<semaphore_mem>>) src(%dma_wait3A_80 : memref<4096xf32, #tpu.memory_space<hbm>>) dst(%dma_wait3A_77 : memref<4096xf32, #tpu.memory_space<vmem>>)
    %dma_wait3A_81 = arith.constant 4096 : i32
    %dma_wait3A_82 = tpu.memref_slice %arg9[%dma_wait3A_81] : memref<8192xf32, #tpu.memory_space<vmem>> -> memref<4096xf32, #tpu.memory_space<vmem>>
    %dma_wait3A_83 = arith.constant 0 : i32
    %dma_wait3A_84 = tpu.memref_slice %arg3[%select_n3A_30, %dma_wait3A_83] : memref<16x4096xf32, #tpu.memory_space<hbm>> -> memref<1x4096xf32, #tpu.memory_space<hbm>>
    %dma_wait3A_85 = tpu.memref_squeeze %dma_wait3A_84 : memref<1x4096xf32, #tpu.memory_space<hbm>> -> memref<4096xf32, #tpu.memory_space<hbm>>
    %dma_wait3A_86 = arith.constant 4096 : i32
    %dma_wait3A_87 = tpu.memref_slice %arg9[%dma_wait3A_86] : memref<8192xf32, #tpu.memory_space<vmem>> -> memref<4096xf32, #tpu.memory_space<vmem>>
    %dma_wait3A_88 = arith.constant 0 : i32
    %dma_wait3A_89 = tpu.memref_slice %arg3[%select_n3A_30, %dma_wait3A_88] : memref<16x4096xf32, #tpu.memory_space<hbm>> -> memref<1x4096xf32, #tpu.memory_space<hbm>>
    %dma_wait3A_90 = tpu.memref_squeeze %dma_wait3A_89 : memref<1x4096xf32, #tpu.memory_space<hbm>> -> memref<4096xf32, #tpu.memory_space<hbm>>
    tpu.wait_dma2 semaphore(%arg16 : memref<!tpu.dma_semaphore, #tpu.memory_space<semaphore_mem>>) src(%dma_wait3A_90 : memref<4096xf32, #tpu.memory_space<hbm>>) dst(%dma_wait3A_87 : memref<4096xf32, #tpu.memory_space<vmem>>)
    %broadcast_in_dim3A = arith.constant -3.000000e+38 : f32
    %broadcast_in_dim3A_91 = vector.broadcast %broadcast_in_dim3A : f32 to vector<16xf32>
    %broadcast_in_dim3A_92 = arith.constant 0 : i32
    %broadcast_in_dim3A_93 = vector.broadcast %broadcast_in_dim3A_92 : i32 to vector<16xi32>
    %parallel_loop3A = arith.constant 0 : i32
    %parallel_loop3A_94 = arith.constant 64 : i32
    %parallel_loop3A_95 = arith.constant 1 : i32
    %parallel_loop3A_96:24 = scf.for %parallel_loop3A_456 = %parallel_loop3A to %parallel_loop3A_94 step %parallel_loop3A_95 iter_args(%parallel_loop3A_457 = %broadcast_in_dim3A_91, %parallel_loop3A_458 = %broadcast_in_dim3A_93, %parallel_loop3A_459 = %broadcast_in_dim3A_91, %parallel_loop3A_460 = %broadcast_in_dim3A_93, %parallel_loop3A_461 = %broadcast_in_dim3A_91, %parallel_loop3A_462 = %broadcast_in_dim3A_93, %parallel_loop3A_463 = %broadcast_in_dim3A_91, %parallel_loop3A_464 = %broadcast_in_dim3A_93, %parallel_loop3A_465 = %broadcast_in_dim3A_91, %parallel_loop3A_466 = %broadcast_in_dim3A_93, %parallel_loop3A_467 = %broadcast_in_dim3A_91, %parallel_loop3A_468 = %broadcast_in_dim3A_93, %parallel_loop3A_469 = %broadcast_in_dim3A_91, %parallel_loop3A_470 = %broadcast_in_dim3A_93, %parallel_loop3A_471 = %broadcast_in_dim3A_91, %parallel_loop3A_472 = %broadcast_in_dim3A_93, %parallel_loop3A_473 = %broadcast_in_dim3A_91, %parallel_loop3A_474 = %broadcast_in_dim3A_93, %parallel_loop3A_475 = %broadcast_in_dim3A_91, %parallel_loop3A_476 = %broadcast_in_dim3A_93, %parallel_loop3A_477 = %broadcast_in_dim3A_91, %parallel_loop3A_478 = %broadcast_in_dim3A_93, %parallel_loop3A_479 = %broadcast_in_dim3A_91, %parallel_loop3A_480 = %broadcast_in_dim3A_93) -> (vector<16xf32>, vector<16xi32>, vector<16xf32>, vector<16xi32>, vector<16xf32>, vector<16xi32>, vector<16xf32>, vector<16xi32>, vector<16xf32>, vector<16xi32>, vector<16xf32>, vector<16xi32>, vector<16xf32>, vector<16xi32>, vector<16xf32>, vector<16xi32>, vector<16xf32>, vector<16xi32>, vector<16xf32>, vector<16xi32>, vector<16xf32>, vector<16xi32>, vector<16xf32>, vector<16xi32>)  : i32 {
      %parallel_loop3A_481 = arith.constant 64 : i32
      %parallel_loop3A_482 = arith.muli %parallel_loop3A_456, %parallel_loop3A_481 : i32
      %parallel_loop3A_483 = arith.constant 0 : i32
      %parallel_loop3A_484 = arith.addi %parallel_loop3A_482, %parallel_loop3A_483 : i32
      %parallel_loop3A_485 = arith.addi %mul3A_71, %parallel_loop3A_484 : i32
      %parallel_loop3A_486 = arith.index_cast %parallel_loop3A_485 : i32 to index
      %parallel_loop3A_487 = tpu.vector_load %arg9[%parallel_loop3A_486] {strides = array<i32>} : memref<8192xf32, #tpu.memory_space<vmem>>, vector<16xf32>,
      %parallel_loop3A_488 = vector.broadcast %parallel_loop3A_484 : i32 to vector<16xi32>
      %parallel_loop3A_489 = arith.addi %parallel_loop3A_488, %iota3A : vector<16xi32>
      %parallel_loop3A_490 = arith.cmpf ogt, %parallel_loop3A_487, %parallel_loop3A_457 : vector<16xf32>
      %parallel_loop3A_491 = arith.cmpf ogt, %parallel_loop3A_487, %parallel_loop3A_459 : vector<16xf32>
      %parallel_loop3A_492 = arith.cmpf ogt, %parallel_loop3A_487, %parallel_loop3A_461 : vector<16xf32>
      %parallel_loop3A_493 = arith.select %parallel_loop3A_490, %parallel_loop3A_487, %parallel_loop3A_457 : vector<16xi1>, vector<16xf32>
      %parallel_loop3A_494 = arith.select %parallel_loop3A_490, %parallel_loop3A_489, %parallel_loop3A_458 : vector<16xi1>, vector<16xi32>
      %parallel_loop3A_495 = arith.select %parallel_loop3A_491, %parallel_loop3A_487, %parallel_loop3A_459 : vector<16xi1>, vector<16xf32>
      %parallel_loop3A_496 = arith.select %parallel_loop3A_490, %parallel_loop3A_457, %parallel_loop3A_495 : vector<16xi1>, vector<16xf32>
      %parallel_loop3A_497 = arith.select %parallel_loop3A_491, %parallel_loop3A_489, %parallel_loop3A_460 : vector<16xi1>, vector<16xi32>
      %parallel_loop3A_498 = arith.select %parallel_loop3A_490, %parallel_loop3A_458, %parallel_loop3A_497 : vector<16xi1>, vector<16xi32>
      %parallel_loop3A_499 = arith.select %parallel_loop3A_492, %parallel_loop3A_487, %parallel_loop3A_461 : vector<16xi1>, vector<16xf32>
      %parallel_loop3A_500 = arith.select %parallel_loop3A_491, %parallel_loop3A_459, %parallel_loop3A_499 : vector<16xi1>, vector<16xf32>
      %parallel_loop3A_501 = arith.select %parallel_loop3A_492, %parallel_loop3A_489, %parallel_loop3A_462 : vector<16xi1>, vector<16xi32>
      %parallel_loop3A_502 = arith.select %parallel_loop3A_491, %parallel_loop3A_460, %parallel_loop3A_501 : vector<16xi1>, vector<16xi32>
      %parallel_loop3A_503 = arith.constant 16 : i32
      %parallel_loop3A_504 = arith.addi %parallel_loop3A_482, %parallel_loop3A_503 : i32
      %parallel_loop3A_505 = arith.addi %mul3A_71, %parallel_loop3A_504 : i32
      %parallel_loop3A_506 = arith.index_cast %parallel_loop3A_505 : i32 to index
      %parallel_loop3A_507 = tpu.vector_load %arg9[%parallel_loop3A_506] {strides = array<i32>} : memref<8192xf32, #tpu.memory_space<vmem>>, vector<16xf32>,
      %parallel_loop3A_508 = vector.broadcast %parallel_loop3A_504 : i32 to vector<16xi32>
      %parallel_loop3A_509 = arith.addi %parallel_loop3A_508, %iota3A : vector<16xi32>
      %parallel_loop3A_510 = arith.cmpf ogt, %parallel_loop3A_507, %parallel_loop3A_463 : vector<16xf32>
      %parallel_loop3A_511 = arith.cmpf ogt, %parallel_loop3A_507, %parallel_loop3A_465 : vector<16xf32>
      %parallel_loop3A_512 = arith.cmpf ogt, %parallel_loop3A_507, %parallel_loop3A_467 : vector<16xf32>
      %parallel_loop3A_513 = arith.select %parallel_loop3A_510, %parallel_loop3A_507, %parallel_loop3A_463 : vector<16xi1>, vector<16xf32>
      %parallel_loop3A_514 = arith.select %parallel_loop3A_510, %parallel_loop3A_509, %parallel_loop3A_464 : vector<16xi1>, vector<16xi32>
      %parallel_loop3A_515 = arith.select %parallel_loop3A_511, %parallel_loop3A_507, %parallel_loop3A_465 : vector<16xi1>, vector<16xf32>
      %parallel_loop3A_516 = arith.select %parallel_loop3A_510, %parallel_loop3A_463, %parallel_loop3A_515 : vector<16xi1>, vector<16xf32>
      %parallel_loop3A_517 = arith.select %parallel_loop3A_511, %parallel_loop3A_509, %parallel_loop3A_466 : vector<16xi1>, vector<16xi32>
      %parallel_loop3A_518 = arith.select %parallel_loop3A_510, %parallel_loop3A_464, %parallel_loop3A_517 : vector<16xi1>, vector<16xi32>
      %parallel_loop3A_519 = arith.select %parallel_loop3A_512, %parallel_loop3A_507, %parallel_loop3A_467 : vector<16xi1>, vector<16xf32>
      %parallel_loop3A_520 = arith.select %parallel_loop3A_511, %parallel_loop3A_465, %parallel_loop3A_519 : vector<16xi1>, vector<16xf32>
      %parallel_loop3A_521 = arith.select %parallel_loop3A_512, %parallel_loop3A_509, %parallel_loop3A_468 : vector<16xi1>, vector<16xi32>
      %parallel_loop3A_522 = arith.select %parallel_loop3A_511, %parallel_loop3A_466, %parallel_loop3A_521 : vector<16xi1>, vector<16xi32>
      %parallel_loop3A_523 = arith.constant 32 : i32
      %parallel_loop3A_524 = arith.addi %parallel_loop3A_482, %parallel_loop3A_523 : i32
      %parallel_loop3A_525 = arith.addi %mul3A_71, %parallel_loop3A_524 : i32
      %parallel_loop3A_526 = arith.index_cast %parallel_loop3A_525 : i32 to index
      %parallel_loop3A_527 = tpu.vector_load %arg9[%parallel_loop3A_526] {strides = array<i32>} : memref<8192xf32, #tpu.memory_space<vmem>>, vector<16xf32>,
      %parallel_loop3A_528 = vector.broadcast %parallel_loop3A_524 : i32 to vector<16xi32>
      %parallel_loop3A_529 = arith.addi %parallel_loop3A_528, %iota3A : vector<16xi32>
      %parallel_loop3A_530 = arith.cmpf ogt, %parallel_loop3A_527, %parallel_loop3A_469 : vector<16xf32>
      %parallel_loop3A_531 = arith.cmpf ogt, %parallel_loop3A_527, %parallel_loop3A_471 : vector<16xf32>
      %parallel_loop3A_532 = arith.cmpf ogt, %parallel_loop3A_527, %parallel_loop3A_473 : vector<16xf32>
      %parallel_loop3A_533 = arith.select %parallel_loop3A_530, %parallel_loop3A_527, %parallel_loop3A_469 : vector<16xi1>, vector<16xf32>
      %parallel_loop3A_534 = arith.select %parallel_loop3A_530, %parallel_loop3A_529, %parallel_loop3A_470 : vector<16xi1>, vector<16xi32>
      %parallel_loop3A_535 = arith.select %parallel_loop3A_531, %parallel_loop3A_527, %parallel_loop3A_471 : vector<16xi1>, vector<16xf32>
      %parallel_loop3A_536 = arith.select %parallel_loop3A_530, %parallel_loop3A_469, %parallel_loop3A_535 : vector<16xi1>, vector<16xf32>
      %parallel_loop3A_537 = arith.select %parallel_loop3A_531, %parallel_loop3A_529, %parallel_loop3A_472 : vector<16xi1>, vector<16xi32>
      %parallel_loop3A_538 = arith.select %parallel_loop3A_530, %parallel_loop3A_470, %parallel_loop3A_537 : vector<16xi1>, vector<16xi32>
      %parallel_loop3A_539 = arith.select %parallel_loop3A_532, %parallel_loop3A_527, %parallel_loop3A_473 : vector<16xi1>, vector<16xf32>
      %parallel_loop3A_540 = arith.select %parallel_loop3A_531, %parallel_loop3A_471, %parallel_loop3A_539 : vector<16xi1>, vector<16xf32>
      %parallel_loop3A_541 = arith.select %parallel_loop3A_532, %parallel_loop3A_529, %parallel_loop3A_474 : vector<16xi1>, vector<16xi32>
      %parallel_loop3A_542 = arith.select %parallel_loop3A_531, %parallel_loop3A_472, %parallel_loop3A_541 : vector<16xi1>, vector<16xi32>
      %parallel_loop3A_543 = arith.constant 48 : i32
      %parallel_loop3A_544 = arith.addi %parallel_loop3A_482, %parallel_loop3A_543 : i32
      %parallel_loop3A_545 = arith.addi %mul3A_71, %parallel_loop3A_544 : i32
      %parallel_loop3A_546 = arith.index_cast %parallel_loop3A_545 : i32 to index
      %parallel_loop3A_547 = tpu.vector_load %arg9[%parallel_loop3A_546] {strides = array<i32>} : memref<8192xf32, #tpu.memory_space<vmem>>, vector<16xf32>,
      %parallel_loop3A_548 = vector.broadcast %parallel_loop3A_544 : i32 to vector<16xi32>
      %parallel_loop3A_549 = arith.addi %parallel_loop3A_548, %iota3A : vector<16xi32>
      %parallel_loop3A_550 = arith.cmpf ogt, %parallel_loop3A_547, %parallel_loop3A_475 : vector<16xf32>
      %parallel_loop3A_551 = arith.cmpf ogt, %parallel_loop3A_547, %parallel_loop3A_477 : vector<16xf32>
      %parallel_loop3A_552 = arith.cmpf ogt, %parallel_loop3A_547, %parallel_loop3A_479 : vector<16xf32>
      %parallel_loop3A_553 = arith.select %parallel_loop3A_550, %parallel_loop3A_547, %parallel_loop3A_475 : vector<16xi1>, vector<16xf32>
      %parallel_loop3A_554 = arith.select %parallel_loop3A_550, %parallel_loop3A_549, %parallel_loop3A_476 : vector<16xi1>, vector<16xi32>
      %parallel_loop3A_555 = arith.select %parallel_loop3A_551, %parallel_loop3A_547, %parallel_loop3A_477 : vector<16xi1>, vector<16xf32>
      %parallel_loop3A_556 = arith.select %parallel_loop3A_550, %parallel_loop3A_475, %parallel_loop3A_555 : vector<16xi1>, vector<16xf32>
      %parallel_loop3A_557 = arith.select %parallel_loop3A_551, %parallel_loop3A_549, %parallel_loop3A_478 : vector<16xi1>, vector<16xi32>
      %parallel_loop3A_558 = arith.select %parallel_loop3A_550, %parallel_loop3A_476, %parallel_loop3A_557 : vector<16xi1>, vector<16xi32>
      %parallel_loop3A_559 = arith.select %parallel_loop3A_552, %parallel_loop3A_547, %parallel_loop3A_479 : vector<16xi1>, vector<16xf32>
      %parallel_loop3A_560 = arith.select %parallel_loop3A_551, %parallel_loop3A_477, %parallel_loop3A_559 : vector<16xi1>, vector<16xf32>
      %parallel_loop3A_561 = arith.select %parallel_loop3A_552, %parallel_loop3A_549, %parallel_loop3A_480 : vector<16xi1>, vector<16xi32>
      %parallel_loop3A_562 = arith.select %parallel_loop3A_551, %parallel_loop3A_478, %parallel_loop3A_561 : vector<16xi1>, vector<16xi32>
      scf.yield %parallel_loop3A_493, %parallel_loop3A_494, %parallel_loop3A_496, %parallel_loop3A_498, %parallel_loop3A_500, %parallel_loop3A_502, %parallel_loop3A_513, %parallel_loop3A_514, %parallel_loop3A_516, %parallel_loop3A_518, %parallel_loop3A_520, %parallel_loop3A_522, %parallel_loop3A_533, %parallel_loop3A_534, %parallel_loop3A_536, %parallel_loop3A_538, %parallel_loop3A_540, %parallel_loop3A_542, %parallel_loop3A_553, %parallel_loop3A_554, %parallel_loop3A_556, %parallel_loop3A_558, %parallel_loop3A_560, %parallel_loop3A_562 : vector<16xf32>, vector<16xi32>, vector<16xf32>, vector<16xi32>, vector<16xf32>, vector<16xi32>, vector<16xf32>, vector<16xi32>, vector<16xf32>, vector<16xi32>, vector<16xf32>, vector<16xi32>, vector<16xf32>, vector<16xi32>, vector<16xf32>, vector<16xi32>, vector<16xf32>, vector<16xi32>, vector<16xf32>, vector<16xi32>, vector<16xf32>, vector<16xi32>, vector<16xf32>, vector<16xi32>
    } {sc.loop_unroll_factor = 2 : i64, sc.parallel_access}
    %max3A = arith.maximumf %parallel_loop3A_96#0, %parallel_loop3A_96#6 : vector<16xf32>
    %max3A_97 = arith.maximumf %max3A, %parallel_loop3A_96#12 : vector<16xf32>
    %max3A_98 = arith.maximumf %max3A_97, %parallel_loop3A_96#18 : vector<16xf32>
    %reduce_max3A = arith.constant true
    %reduce_max3A_99 = vector.broadcast %reduce_max3A : i1 to vector<16xi1>
    %reduce_max3A_100 = tpu.scan <max>, %max3A_98 masked %reduce_max3A_99 : vector<16xf32>, vector<16xi1> -> vector<16xf32>
    %reduce_max3A_101 = vector.extract %reduce_max3A_100[15] : f32 from vector<16xf32>
    %broadcast_in_dim3A_102 = arith.constant 1073741824 : i32
    %broadcast_in_dim3A_103 = vector.broadcast %broadcast_in_dim3A_102 : i32 to vector<16xi32>
    %eq3A_104 = vector.broadcast %reduce_max3A_101 : f32 to vector<16xf32>
    %eq3A_105 = arith.cmpf oeq, %parallel_loop3A_96#0, %eq3A_104 : vector<16xf32>
    %jit3A_106 = arith.constant 1073741824 : i32
    %broadcast_in_dim3A_107 = vector.broadcast %jit3A_106 : i32 to vector<16xi32>
    %select_n3A_108 = arith.select %eq3A_105, %parallel_loop3A_96#1, %broadcast_in_dim3A_107 : vector<16xi1>, vector<16xi32>
    %min3A = arith.minsi %broadcast_in_dim3A_103, %select_n3A_108 : vector<16xi32>
    %eq3A_109 = vector.broadcast %reduce_max3A_101 : f32 to vector<16xf32>
    %eq3A_110 = arith.cmpf oeq, %parallel_loop3A_96#6, %eq3A_109 : vector<16xf32>
    %jit3A_111 = arith.constant 1073741824 : i32
    %broadcast_in_dim3A_112 = vector.broadcast %jit3A_111 : i32 to vector<16xi32>
    %select_n3A_113 = arith.select %eq3A_110, %parallel_loop3A_96#7, %broadcast_in_dim3A_112 : vector<16xi1>, vector<16xi32>
    %min3A_114 = arith.minsi %min3A, %select_n3A_113 : vector<16xi32>
    %eq3A_115 = vector.broadcast %reduce_max3A_101 : f32 to vector<16xf32>
    %eq3A_116 = arith.cmpf oeq, %parallel_loop3A_96#12, %eq3A_115 : vector<16xf32>
    %jit3A_117 = arith.constant 1073741824 : i32
    %broadcast_in_dim3A_118 = vector.broadcast %jit3A_117 : i32 to vector<16xi32>
    %select_n3A_119 = arith.select %eq3A_116, %parallel_loop3A_96#13, %broadcast_in_dim3A_118 : vector<16xi1>, vector<16xi32>
    %min3A_120 = arith.minsi %min3A_114, %select_n3A_119 : vector<16xi32>
    %eq3A_121 = vector.broadcast %reduce_max3A_101 : f32 to vector<16xf32>
    %eq3A_122 = arith.cmpf oeq, %parallel_loop3A_96#18, %eq3A_121 : vector<16xf32>
    %jit3A_123 = arith.constant 1073741824 : i32
    %broadcast_in_dim3A_124 = vector.broadcast %jit3A_123 : i32 to vector<16xi32>
    %select_n3A_125 = arith.select %eq3A_122, %parallel_loop3A_96#19, %broadcast_in_dim3A_124 : vector<16xi1>, vector<16xi32>
    %min3A_126 = arith.minsi %min3A_120, %select_n3A_125 : vector<16xi32>
    %reduce_min3A = arith.constant true
    %reduce_min3A_127 = vector.broadcast %reduce_min3A : i1 to vector<16xi1>
    %reduce_min3A_128 = arith.constant -2147483648 : i32
    %reduce_min3A_129 = vector.broadcast %reduce_min3A_128 : i32 to vector<16xi32>
    %reduce_min3A_130 = arith.xori %min3A_126, %reduce_min3A_129 : vector<16xi32>
    %reduce_min3A_131 = tpu.scan <min>, %reduce_min3A_130 masked %reduce_min3A_127 : vector<16xi32>, vector<16xi1> -> vector<16xi32>
    %reduce_min3A_132 = arith.xori %reduce_min3A_131, %reduce_min3A_129 : vector<16xi32>
    %reduce_min3A_133 = vector.extract %reduce_min3A_132[15] : i32 from vector<16xi32>
    %eq3A_134 = vector.broadcast %reduce_max3A_101 : f32 to vector<16xf32>
    %eq3A_135 = arith.cmpf oeq, %parallel_loop3A_96#0, %eq3A_134 : vector<16xf32>
    %eq3A_136 = vector.broadcast %reduce_min3A_133 : i32 to vector<16xi32>
    %eq3A_137 = arith.cmpi eq, %parallel_loop3A_96#1, %eq3A_136 : vector<16xi32>
    %and3A_138 = arith.andi %eq3A_135, %eq3A_137 : vector<16xi1>
    %select_n3A_139 = arith.select %and3A_138, %parallel_loop3A_96#2, %parallel_loop3A_96#0 : vector<16xi1>, vector<16xf32>
    %select_n3A_140 = arith.select %and3A_138, %parallel_loop3A_96#3, %parallel_loop3A_96#1 : vector<16xi1>, vector<16xi32>
    %select_n3A_141 = arith.select %and3A_138, %parallel_loop3A_96#4, %parallel_loop3A_96#2 : vector<16xi1>, vector<16xf32>
    %select_n3A_142 = arith.select %and3A_138, %parallel_loop3A_96#5, %parallel_loop3A_96#3 : vector<16xi1>, vector<16xi32>
    %jit3A_143 = arith.constant -3.000000e+38 : f32
    %broadcast_in_dim3A_144 = vector.broadcast %jit3A_143 : f32 to vector<16xf32>
    %select_n3A_145 = arith.select %and3A_138, %broadcast_in_dim3A_144, %parallel_loop3A_96#4 : vector<16xi1>, vector<16xf32>
    %eq3A_146 = vector.broadcast %reduce_max3A_101 : f32 to vector<16xf32>
    %eq3A_147 = arith.cmpf oeq, %parallel_loop3A_96#6, %eq3A_146 : vector<16xf32>
    %eq3A_148 = vector.broadcast %reduce_min3A_133 : i32 to vector<16xi32>
    %eq3A_149 = arith.cmpi eq, %parallel_loop3A_96#7, %eq3A_148 : vector<16xi32>
    %and3A_150 = arith.andi %eq3A_147, %eq3A_149 : vector<16xi1>
    %select_n3A_151 = arith.select %and3A_150, %parallel_loop3A_96#8, %parallel_loop3A_96#6 : vector<16xi1>, vector<16xf32>
    %select_n3A_152 = arith.select %and3A_150, %parallel_loop3A_96#9, %parallel_loop3A_96#7 : vector<16xi1>, vector<16xi32>
    %select_n3A_153 = arith.select %and3A_150, %parallel_loop3A_96#10, %parallel_loop3A_96#8 : vector<16xi1>, vector<16xf32>
    %select_n3A_154 = arith.select %and3A_150, %parallel_loop3A_96#11, %parallel_loop3A_96#9 : vector<16xi1>, vector<16xi32>
    %jit3A_155 = arith.constant -3.000000e+38 : f32
    %broadcast_in_dim3A_156 = vector.broadcast %jit3A_155 : f32 to vector<16xf32>
    %select_n3A_157 = arith.select %and3A_150, %broadcast_in_dim3A_156, %parallel_loop3A_96#10 : vector<16xi1>, vector<16xf32>
    %eq3A_158 = vector.broadcast %reduce_max3A_101 : f32 to vector<16xf32>
    %eq3A_159 = arith.cmpf oeq, %parallel_loop3A_96#12, %eq3A_158 : vector<16xf32>
    %eq3A_160 = vector.broadcast %reduce_min3A_133 : i32 to vector<16xi32>
    %eq3A_161 = arith.cmpi eq, %parallel_loop3A_96#13, %eq3A_160 : vector<16xi32>
    %and3A_162 = arith.andi %eq3A_159, %eq3A_161 : vector<16xi1>
    %select_n3A_163 = arith.select %and3A_162, %parallel_loop3A_96#14, %parallel_loop3A_96#12 : vector<16xi1>, vector<16xf32>
    %select_n3A_164 = arith.select %and3A_162, %parallel_loop3A_96#15, %parallel_loop3A_96#13 : vector<16xi1>, vector<16xi32>
    %select_n3A_165 = arith.select %and3A_162, %parallel_loop3A_96#16, %parallel_loop3A_96#14 : vector<16xi1>, vector<16xf32>
    %select_n3A_166 = arith.select %and3A_162, %parallel_loop3A_96#17, %parallel_loop3A_96#15 : vector<16xi1>, vector<16xi32>
    %jit3A_167 = arith.constant -3.000000e+38 : f32
    %broadcast_in_dim3A_168 = vector.broadcast %jit3A_167 : f32 to vector<16xf32>
    %select_n3A_169 = arith.select %and3A_162, %broadcast_in_dim3A_168, %parallel_loop3A_96#16 : vector<16xi1>, vector<16xf32>
    %eq3A_170 = vector.broadcast %reduce_max3A_101 : f32 to vector<16xf32>
    %eq3A_171 = arith.cmpf oeq, %parallel_loop3A_96#18, %eq3A_170 : vector<16xf32>
    %eq3A_172 = vector.broadcast %reduce_min3A_133 : i32 to vector<16xi32>
    %eq3A_173 = arith.cmpi eq, %parallel_loop3A_96#19, %eq3A_172 : vector<16xi32>
    %and3A_174 = arith.andi %eq3A_171, %eq3A_173 : vector<16xi1>
    %select_n3A_175 = arith.select %and3A_174, %parallel_loop3A_96#20, %parallel_loop3A_96#18 : vector<16xi1>, vector<16xf32>
    %select_n3A_176 = arith.select %and3A_174, %parallel_loop3A_96#21, %parallel_loop3A_96#19 : vector<16xi1>, vector<16xi32>
    %select_n3A_177 = arith.select %and3A_174, %parallel_loop3A_96#22, %parallel_loop3A_96#20 : vector<16xi1>, vector<16xf32>
    %select_n3A_178 = arith.select %and3A_174, %parallel_loop3A_96#23, %parallel_loop3A_96#21 : vector<16xi1>, vector<16xi32>
    %jit3A_179 = arith.constant -3.000000e+38 : f32
    %broadcast_in_dim3A_180 = vector.broadcast %jit3A_179 : f32 to vector<16xf32>
    %select_n3A_181 = arith.select %and3A_174, %broadcast_in_dim3A_180, %parallel_loop3A_96#22 : vector<16xi1>, vector<16xf32>
    %max3A_182 = arith.maximumf %select_n3A_139, %select_n3A_151 : vector<16xf32>
    %max3A_183 = arith.maximumf %max3A_182, %select_n3A_163 : vector<16xf32>
    %max3A_184 = arith.maximumf %max3A_183, %select_n3A_175 : vector<16xf32>
    %reduce_max3A_185 = arith.constant true
    %reduce_max3A_186 = vector.broadcast %reduce_max3A_185 : i1 to vector<16xi1>
    %reduce_max3A_187 = tpu.scan <max>, %max3A_184 masked %reduce_max3A_186 : vector<16xf32>, vector<16xi1> -> vector<16xf32>
    %reduce_max3A_188 = vector.extract %reduce_max3A_187[15] : f32 from vector<16xf32>
    %broadcast_in_dim3A_189 = arith.constant 1073741824 : i32
    %broadcast_in_dim3A_190 = vector.broadcast %broadcast_in_dim3A_189 : i32 to vector<16xi32>
    %eq3A_191 = vector.broadcast %reduce_max3A_188 : f32 to vector<16xf32>
    %eq3A_192 = arith.cmpf oeq, %select_n3A_139, %eq3A_191 : vector<16xf32>
    %jit3A_193 = arith.constant 1073741824 : i32
    %broadcast_in_dim3A_194 = vector.broadcast %jit3A_193 : i32 to vector<16xi32>
    %select_n3A_195 = arith.select %eq3A_192, %select_n3A_140, %broadcast_in_dim3A_194 : vector<16xi1>, vector<16xi32>
    %min3A_196 = arith.minsi %broadcast_in_dim3A_190, %select_n3A_195 : vector<16xi32>
    %eq3A_197 = vector.broadcast %reduce_max3A_188 : f32 to vector<16xf32>
    %eq3A_198 = arith.cmpf oeq, %select_n3A_151, %eq3A_197 : vector<16xf32>
    %jit3A_199 = arith.constant 1073741824 : i32
    %broadcast_in_dim3A_200 = vector.broadcast %jit3A_199 : i32 to vector<16xi32>
    %select_n3A_201 = arith.select %eq3A_198, %select_n3A_152, %broadcast_in_dim3A_200 : vector<16xi1>, vector<16xi32>
    %min3A_202 = arith.minsi %min3A_196, %select_n3A_201 : vector<16xi32>
    %eq3A_203 = vector.broadcast %reduce_max3A_188 : f32 to vector<16xf32>
    %eq3A_204 = arith.cmpf oeq, %select_n3A_163, %eq3A_203 : vector<16xf32>
    %jit3A_205 = arith.constant 1073741824 : i32
    %broadcast_in_dim3A_206 = vector.broadcast %jit3A_205 : i32 to vector<16xi32>
    %select_n3A_207 = arith.select %eq3A_204, %select_n3A_164, %broadcast_in_dim3A_206 : vector<16xi1>, vector<16xi32>
    %min3A_208 = arith.minsi %min3A_202, %select_n3A_207 : vector<16xi32>
    %eq3A_209 = vector.broadcast %reduce_max3A_188 : f32 to vector<16xf32>
    %eq3A_210 = arith.cmpf oeq, %select_n3A_175, %eq3A_209 : vector<16xf32>
    %jit3A_211 = arith.constant 1073741824 : i32
    %broadcast_in_dim3A_212 = vector.broadcast %jit3A_211 : i32 to vector<16xi32>
    %select_n3A_213 = arith.select %eq3A_210, %select_n3A_176, %broadcast_in_dim3A_212 : vector<16xi1>, vector<16xi32>
    %min3A_214 = arith.minsi %min3A_208, %select_n3A_213 : vector<16xi32>
    %reduce_min3A_215 = arith.constant true
    %reduce_min3A_216 = vector.broadcast %reduce_min3A_215 : i1 to vector<16xi1>
    %reduce_min3A_217 = arith.constant -2147483648 : i32
    %reduce_min3A_218 = vector.broadcast %reduce_min3A_217 : i32 to vector<16xi32>
    %reduce_min3A_219 = arith.xori %min3A_214, %reduce_min3A_218 : vector<16xi32>
    %reduce_min3A_220 = tpu.scan <min>, %reduce_min3A_219 masked %reduce_min3A_216 : vector<16xi32>, vector<16xi1> -> vector<16xi32>
    %reduce_min3A_221 = arith.xori %reduce_min3A_220, %reduce_min3A_218 : vector<16xi32>
    %reduce_min3A_222 = vector.extract %reduce_min3A_221[15] : i32 from vector<16xi32>
    %eq3A_223 = vector.broadcast %reduce_max3A_188 : f32 to vector<16xf32>
    %eq3A_224 = arith.cmpf oeq, %select_n3A_139, %eq3A_223 : vector<16xf32>
    %eq3A_225 = vector.broadcast %reduce_min3A_222 : i32 to vector<16xi32>
    %eq3A_226 = arith.cmpi eq, %select_n3A_140, %eq3A_225 : vector<16xi32>
    %and3A_227 = arith.andi %eq3A_224, %eq3A_226 : vector<16xi1>
    %select_n3A_228 = arith.select %and3A_227, %select_n3A_141, %select_n3A_139 : vector<16xi1>, vector<16xf32>
    %select_n3A_229 = arith.select %and3A_227, %select_n3A_142, %select_n3A_140 : vector<16xi1>, vector<16xi32>
    %select_n3A_230 = arith.select %and3A_227, %select_n3A_145, %select_n3A_141 : vector<16xi1>, vector<16xf32>
    %select_n3A_231 = arith.select %and3A_227, %parallel_loop3A_96#5, %select_n3A_142 : vector<16xi1>, vector<16xi32>
    %jit3A_232 = arith.constant -3.000000e+38 : f32
    %broadcast_in_dim3A_233 = vector.broadcast %jit3A_232 : f32 to vector<16xf32>
    %select_n3A_234 = arith.select %and3A_227, %broadcast_in_dim3A_233, %select_n3A_145 : vector<16xi1>, vector<16xf32>
    %eq3A_235 = vector.broadcast %reduce_max3A_188 : f32 to vector<16xf32>
    %eq3A_236 = arith.cmpf oeq, %select_n3A_151, %eq3A_235 : vector<16xf32>
    %eq3A_237 = vector.broadcast %reduce_min3A_222 : i32 to vector<16xi32>
    %eq3A_238 = arith.cmpi eq, %select_n3A_152, %eq3A_237 : vector<16xi32>
    %and3A_239 = arith.andi %eq3A_236, %eq3A_238 : vector<16xi1>
    %select_n3A_240 = arith.select %and3A_239, %select_n3A_153, %select_n3A_151 : vector<16xi1>, vector<16xf32>
    %select_n3A_241 = arith.select %and3A_239, %select_n3A_154, %select_n3A_152 : vector<16xi1>, vector<16xi32>
    %select_n3A_242 = arith.select %and3A_239, %select_n3A_157, %select_n3A_153 : vector<16xi1>, vector<16xf32>
    %select_n3A_243 = arith.select %and3A_239, %parallel_loop3A_96#11, %select_n3A_154 : vector<16xi1>, vector<16xi32>
    %jit3A_244 = arith.constant -3.000000e+38 : f32
    %broadcast_in_dim3A_245 = vector.broadcast %jit3A_244 : f32 to vector<16xf32>
    %select_n3A_246 = arith.select %and3A_239, %broadcast_in_dim3A_245, %select_n3A_157 : vector<16xi1>, vector<16xf32>
    %eq3A_247 = vector.broadcast %reduce_max3A_188 : f32 to vector<16xf32>
    %eq3A_248 = arith.cmpf oeq, %select_n3A_163, %eq3A_247 : vector<16xf32>
    %eq3A_249 = vector.broadcast %reduce_min3A_222 : i32 to vector<16xi32>
    %eq3A_250 = arith.cmpi eq, %select_n3A_164, %eq3A_249 : vector<16xi32>
    %and3A_251 = arith.andi %eq3A_248, %eq3A_250 : vector<16xi1>
    %select_n3A_252 = arith.select %and3A_251, %select_n3A_165, %select_n3A_163 : vector<16xi1>, vector<16xf32>
    %select_n3A_253 = arith.select %and3A_251, %select_n3A_166, %select_n3A_164 : vector<16xi1>, vector<16xi32>
    %select_n3A_254 = arith.select %and3A_251, %select_n3A_169, %select_n3A_165 : vector<16xi1>, vector<16xf32>
    %select_n3A_255 = arith.select %and3A_251, %parallel_loop3A_96#17, %select_n3A_166 : vector<16xi1>, vector<16xi32>
    %jit3A_256 = arith.constant -3.000000e+38 : f32
    %broadcast_in_dim3A_257 = vector.broadcast %jit3A_256 : f32 to vector<16xf32>
    %select_n3A_258 = arith.select %and3A_251, %broadcast_in_dim3A_257, %select_n3A_169 : vector<16xi1>, vector<16xf32>
    %eq3A_259 = vector.broadcast %reduce_max3A_188 : f32 to vector<16xf32>
    %eq3A_260 = arith.cmpf oeq, %select_n3A_175, %eq3A_259 : vector<16xf32>
    %eq3A_261 = vector.broadcast %reduce_min3A_222 : i32 to vector<16xi32>
    %eq3A_262 = arith.cmpi eq, %select_n3A_176, %eq3A_261 : vector<16xi32>
    %and3A_263 = arith.andi %eq3A_260, %eq3A_262 : vector<16xi1>
    %select_n3A_264 = arith.select %and3A_263, %select_n3A_177, %select_n3A_175 : vector<16xi1>, vector<16xf32>
    %select_n3A_265 = arith.select %and3A_263, %select_n3A_178, %select_n3A_176 : vector<16xi1>, vector<16xi32>
    %select_n3A_266 = arith.select %and3A_263, %select_n3A_181, %select_n3A_177 : vector<16xi1>, vector<16xf32>
    %select_n3A_267 = arith.select %and3A_263, %parallel_loop3A_96#23, %select_n3A_178 : vector<16xi1>, vector<16xi32>
    %jit3A_268 = arith.constant -3.000000e+38 : f32
    %broadcast_in_dim3A_269 = vector.broadcast %jit3A_268 : f32 to vector<16xf32>
    %select_n3A_270 = arith.select %and3A_263, %broadcast_in_dim3A_269, %select_n3A_181 : vector<16xi1>, vector<16xf32>
    %max3A_271 = arith.maximumf %select_n3A_228, %select_n3A_240 : vector<16xf32>
    %max3A_272 = arith.maximumf %max3A_271, %select_n3A_252 : vector<16xf32>
    %max3A_273 = arith.maximumf %max3A_272, %select_n3A_264 : vector<16xf32>
    %reduce_max3A_274 = arith.constant true
    %reduce_max3A_275 = vector.broadcast %reduce_max3A_274 : i1 to vector<16xi1>
    %reduce_max3A_276 = tpu.scan <max>, %max3A_273 masked %reduce_max3A_275 : vector<16xf32>, vector<16xi1> -> vector<16xf32>
    %reduce_max3A_277 = vector.extract %reduce_max3A_276[15] : f32 from vector<16xf32>
    %broadcast_in_dim3A_278 = arith.constant 1073741824 : i32
    %broadcast_in_dim3A_279 = vector.broadcast %broadcast_in_dim3A_278 : i32 to vector<16xi32>
    %eq3A_280 = vector.broadcast %reduce_max3A_277 : f32 to vector<16xf32>
    %eq3A_281 = arith.cmpf oeq, %select_n3A_228, %eq3A_280 : vector<16xf32>
    %jit3A_282 = arith.constant 1073741824 : i32
    %broadcast_in_dim3A_283 = vector.broadcast %jit3A_282 : i32 to vector<16xi32>
    %select_n3A_284 = arith.select %eq3A_281, %select_n3A_229, %broadcast_in_dim3A_283 : vector<16xi1>, vector<16xi32>
    %min3A_285 = arith.minsi %broadcast_in_dim3A_279, %select_n3A_284 : vector<16xi32>
    %eq3A_286 = vector.broadcast %reduce_max3A_277 : f32 to vector<16xf32>
    %eq3A_287 = arith.cmpf oeq, %select_n3A_240, %eq3A_286 : vector<16xf32>
    %jit3A_288 = arith.constant 1073741824 : i32
    %broadcast_in_dim3A_289 = vector.broadcast %jit3A_288 : i32 to vector<16xi32>
    %select_n3A_290 = arith.select %eq3A_287, %select_n3A_241, %broadcast_in_dim3A_289 : vector<16xi1>, vector<16xi32>
    %min3A_291 = arith.minsi %min3A_285, %select_n3A_290 : vector<16xi32>
    %eq3A_292 = vector.broadcast %reduce_max3A_277 : f32 to vector<16xf32>
    %eq3A_293 = arith.cmpf oeq, %select_n3A_252, %eq3A_292 : vector<16xf32>
    %jit3A_294 = arith.constant 1073741824 : i32
    %broadcast_in_dim3A_295 = vector.broadcast %jit3A_294 : i32 to vector<16xi32>
    %select_n3A_296 = arith.select %eq3A_293, %select_n3A_253, %broadcast_in_dim3A_295 : vector<16xi1>, vector<16xi32>
    %min3A_297 = arith.minsi %min3A_291, %select_n3A_296 : vector<16xi32>
    %eq3A_298 = vector.broadcast %reduce_max3A_277 : f32 to vector<16xf32>
    %eq3A_299 = arith.cmpf oeq, %select_n3A_264, %eq3A_298 : vector<16xf32>
    %jit3A_300 = arith.constant 1073741824 : i32
    %broadcast_in_dim3A_301 = vector.broadcast %jit3A_300 : i32 to vector<16xi32>
    %select_n3A_302 = arith.select %eq3A_299, %select_n3A_265, %broadcast_in_dim3A_301 : vector<16xi1>, vector<16xi32>
    %min3A_303 = arith.minsi %min3A_297, %select_n3A_302 : vector<16xi32>
    %reduce_min3A_304 = arith.constant true
    %reduce_min3A_305 = vector.broadcast %reduce_min3A_304 : i1 to vector<16xi1>
    %reduce_min3A_306 = arith.constant -2147483648 : i32
    %reduce_min3A_307 = vector.broadcast %reduce_min3A_306 : i32 to vector<16xi32>
    %reduce_min3A_308 = arith.xori %min3A_303, %reduce_min3A_307 : vector<16xi32>
    %reduce_min3A_309 = tpu.scan <min>, %reduce_min3A_308 masked %reduce_min3A_305 : vector<16xi32>, vector<16xi1> -> vector<16xi32>
    %reduce_min3A_310 = arith.xori %reduce_min3A_309, %reduce_min3A_307 : vector<16xi32>
    %reduce_min3A_311 = vector.extract %reduce_min3A_310[15] : i32 from vector<16xi32>
    %mul3A_312 = arith.constant 4096 : i32
    %mul3A_313 = arith.muli %select_n3A_30, %mul3A_312 : i32
    %add3A_314 = arith.constant 16 : i32
    %add3A_315 = arith.addi %add3A_314, %select_n3A_30 : i32
    %mul3A_316 = arith.constant 4096 : i32
    %mul3A_317 = arith.muli %add3A_315, %mul3A_316 : i32
    %eq3A_318 = arith.constant 0 : i32
    %eq3A_319 = vector.broadcast %eq3A_318 : i32 to vector<16xi32>
    %eq3A_320 = arith.cmpi eq, %iota3A, %eq3A_319 : vector<16xi32>
    %add3A_321 = arith.addi %mul3A_313, %reduce_min3A_133 : i32
    %eq3A_322 = arith.constant 1 : i32
    %eq3A_323 = vector.broadcast %eq3A_322 : i32 to vector<16xi32>
    %eq3A_324 = arith.cmpi eq, %iota3A, %eq3A_323 : vector<16xi32>
    %add3A_325 = arith.addi %mul3A_313, %reduce_min3A_222 : i32
    %eq3A_326 = arith.constant 2 : i32
    %eq3A_327 = vector.broadcast %eq3A_326 : i32 to vector<16xi32>
    %eq3A_328 = arith.cmpi eq, %iota3A, %eq3A_327 : vector<16xi32>
    %add3A_329 = arith.addi %mul3A_313, %reduce_min3A_311 : i32
    %eq3A_330 = arith.constant 3 : i32
    %eq3A_331 = vector.broadcast %eq3A_330 : i32 to vector<16xi32>
    %eq3A_332 = arith.cmpi eq, %iota3A, %eq3A_331 : vector<16xi32>
    %add3A_333 = arith.addi %mul3A_317, %reduce_min3A_133 : i32
    %eq3A_334 = arith.constant 4 : i32
    %eq3A_335 = vector.broadcast %eq3A_334 : i32 to vector<16xi32>
    %eq3A_336 = arith.cmpi eq, %iota3A, %eq3A_335 : vector<16xi32>
    %add3A_337 = arith.addi %mul3A_317, %reduce_min3A_222 : i32
    %eq3A_338 = arith.constant 5 : i32
    %eq3A_339 = vector.broadcast %eq3A_338 : i32 to vector<16xi32>
    %eq3A_340 = arith.cmpi eq, %iota3A, %eq3A_339 : vector<16xi32>
    %add3A_341 = arith.addi %mul3A_317, %reduce_min3A_311 : i32
    %add3A_342 = arith.addi %mul3A_313, %reduce_min3A_133 : i32
    %broadcast_in_dim3A_343 = vector.broadcast %add3A_341 : i32 to vector<16xi32>
    %broadcast_in_dim3A_344 = vector.broadcast %add3A_342 : i32 to vector<16xi32>
    %select_n3A_345 = arith.select %eq3A_340, %broadcast_in_dim3A_343, %broadcast_in_dim3A_344 : vector<16xi1>, vector<16xi32>
    %broadcast_in_dim3A_346 = vector.broadcast %add3A_337 : i32 to vector<16xi32>
    %select_n3A_347 = arith.select %eq3A_336, %broadcast_in_dim3A_346, %select_n3A_345 : vector<16xi1>, vector<16xi32>
    %broadcast_in_dim3A_348 = vector.broadcast %add3A_333 : i32 to vector<16xi32>
    %select_n3A_349 = arith.select %eq3A_332, %broadcast_in_dim3A_348, %select_n3A_347 : vector<16xi1>, vector<16xi32>
    %broadcast_in_dim3A_350 = vector.broadcast %add3A_329 : i32 to vector<16xi32>
    %select_n3A_351 = arith.select %eq3A_328, %broadcast_in_dim3A_350, %select_n3A_349 : vector<16xi1>, vector<16xi32>
    %broadcast_in_dim3A_352 = vector.broadcast %add3A_325 : i32 to vector<16xi32>
    %select_n3A_353 = arith.select %eq3A_324, %broadcast_in_dim3A_352, %select_n3A_351 : vector<16xi1>, vector<16xi32>
    %broadcast_in_dim3A_354 = vector.broadcast %add3A_321 : i32 to vector<16xi32>
    %select_n3A_355 = arith.select %eq3A_320, %broadcast_in_dim3A_354, %select_n3A_353 : vector<16xi1>, vector<16xi32>
    %lt3A_356 = arith.constant 8 : i32
    %lt3A_357 = vector.broadcast %lt3A_356 : i32 to vector<16xi32>
    %lt3A_358 = arith.cmpi slt, %iota3A, %lt3A_357 : vector<16xi32>
    tpu.vector_store_idx %arg11[%iota3A], %select_n3A_355 masked %lt3A_358 : memref<8xi32, #tpu.memory_space<vmem>>[vector<16xi32>], vector<16xi32>, vector<16xi1>
    %dma_start3A_359 = arith.constant 0 : i32
    %dma_start3A_360 = arith.constant 0 : i32
    %dma_start3A_361 = tpu.memref_slice %arg6[%dma_start3A_359, %dma_start3A_360] : memref<131072x256xf32, #tpu.memory_space<hbm>> -> memref<131072x256xf32, #tpu.memory_space<hbm>>
    tpu.enqueue_indirect_dma source(%dma_start3A_361 : memref<131072x256xf32, #tpu.memory_space<hbm>>) target(%arg12 : memref<8x256xf32, #tpu.memory_space<vmem>>) offsets(%arg11 : memref<8xi32, #tpu.memory_space<vmem>>) semaphore(%arg19 : memref<!tpu.dma_semaphore, #tpu.memory_space<semaphore_mem>>)
    %dma_start3A_362 = arith.constant 0 : i32
    %dma_start3A_363 = arith.constant 0 : i32
    %dma_start3A_364 = tpu.memref_slice %arg7[%dma_start3A_362, %dma_start3A_363] : memref<131072x256xf32, #tpu.memory_space<hbm>> -> memref<131072x256xf32, #tpu.memory_space<hbm>>
    tpu.enqueue_indirect_dma source(%dma_start3A_364 : memref<131072x256xf32, #tpu.memory_space<hbm>>) target(%arg13 : memref<8x256xf32, #tpu.memory_space<vmem>>) offsets(%arg11 : memref<8xi32, #tpu.memory_space<vmem>>) semaphore(%arg20 : memref<!tpu.dma_semaphore, #tpu.memory_space<semaphore_mem>>)
    %broadcast_in_dim3A_365 = arith.constant 0 : i32
    %broadcast_in_dim3A_366 = vector.broadcast %broadcast_in_dim3A_365 : i32 to vector<16xi32>
    %add3A_367 = vector.broadcast %select_n3A : i32 to vector<16xi32>
    %add3A_368 = arith.addi %broadcast_in_dim3A_366, %add3A_367 : vector<16xi32>
    %eq3A_369 = arith.constant 0 : i32
    %eq3A_370 = vector.broadcast %eq3A_369 : i32 to vector<16xi32>
    %eq3A_371 = arith.cmpi eq, %add3A_368, %eq3A_370 : vector<16xi32>
    %dma_wait3A_372 = arith.constant 0 : i32
    %dma_wait3A_373 = tpu.memref_slice %arg10[%dma_wait3A_372] : memref<8192xf32, #tpu.memory_space<vmem>> -> memref<4096xf32, #tpu.memory_space<vmem>>
    %dma_wait3A_374 = arith.constant 0 : i32
    %dma_wait3A_375 = tpu.memref_slice %arg4[%select_n3A_30, %dma_wait3A_374] : memref<16x4096xf32, #tpu.memory_space<hbm>> -> memref<1x4096xf32, #tpu.memory_space<hbm>>
    %dma_wait3A_376 = tpu.memref_squeeze %dma_wait3A_375 : memref<1x4096xf32, #tpu.memory_space<hbm>> -> memref<4096xf32, #tpu.memory_space<hbm>>
    %dma_wait3A_377 = arith.constant 0 : i32
    %dma_wait3A_378 = tpu.memref_slice %arg10[%dma_wait3A_377] : memref<8192xf32, #tpu.memory_space<vmem>> -> memref<4096xf32, #tpu.memory_space<vmem>>
    %dma_wait3A_379 = arith.constant 0 : i32
    %dma_wait3A_380 = tpu.memref_slice %arg4[%select_n3A_30, %dma_wait3A_379] : memref<16x4096xf32, #tpu.memory_space<hbm>> -> memref<1x4096xf32, #tpu.memory_space<hbm>>
    %dma_wait3A_381 = tpu.memref_squeeze %dma_wait3A_380 : memref<1x4096xf32, #tpu.memory_space<hbm>> -> memref<4096xf32, #tpu.memory_space<hbm>>
    tpu.wait_dma2 semaphore(%arg17 : memref<!tpu.dma_semaphore, #tpu.memory_space<semaphore_mem>>) src(%dma_wait3A_381 : memref<4096xf32, #tpu.memory_space<hbm>>) dst(%dma_wait3A_378 : memref<4096xf32, #tpu.memory_space<vmem>>)
    %dma_wait3A_382 = arith.constant 4096 : i32
    %dma_wait3A_383 = tpu.memref_slice %arg10[%dma_wait3A_382] : memref<8192xf32, #tpu.memory_space<vmem>> -> memref<4096xf32, #tpu.memory_space<vmem>>
    %dma_wait3A_384 = arith.constant 0 : i32
    %dma_wait3A_385 = tpu.memref_slice %arg5[%select_n3A_30, %dma_wait3A_384] : memref<16x4096xf32, #tpu.memory_space<hbm>> -> memref<1x4096xf32, #tpu.memory_space<hbm>>
    %dma_wait3A_386 = tpu.memref_squeeze %dma_wait3A_385 : memref<1x4096xf32, #tpu.memory_space<hbm>> -> memref<4096xf32, #tpu.memory_space<hbm>>
    %dma_wait3A_387 = arith.constant 4096 : i32
    %dma_wait3A_388 = tpu.memref_slice %arg10[%dma_wait3A_387] : memref<8192xf32, #tpu.memory_space<vmem>> -> memref<4096xf32, #tpu.memory_space<vmem>>
    %dma_wait3A_389 = arith.constant 0 : i32
    %dma_wait3A_390 = tpu.memref_slice %arg5[%select_n3A_30, %dma_wait3A_389] : memref<16x4096xf32, #tpu.memory_space<hbm>> -> memref<1x4096xf32, #tpu.memory_space<hbm>>
    %dma_wait3A_391 = tpu.memref_squeeze %dma_wait3A_390 : memref<1x4096xf32, #tpu.memory_space<hbm>> -> memref<4096xf32, #tpu.memory_space<hbm>>
    tpu.wait_dma2 semaphore(%arg18 : memref<!tpu.dma_semaphore, #tpu.memory_space<semaphore_mem>>) src(%dma_wait3A_391 : memref<4096xf32, #tpu.memory_space<hbm>>) dst(%dma_wait3A_388 : memref<4096xf32, #tpu.memory_space<vmem>>)
    %eq3A_392 = arith.constant 0 : i32
    %eq3A_393 = vector.broadcast %eq3A_392 : i32 to vector<16xi32>
    %eq3A_394 = arith.cmpi eq, %iota3A, %eq3A_393 : vector<16xi32>
    %eq3A_395 = arith.constant 1 : i32
    %eq3A_396 = vector.broadcast %eq3A_395 : i32 to vector<16xi32>
    %eq3A_397 = arith.cmpi eq, %iota3A, %eq3A_396 : vector<16xi32>
    %broadcast_in_dim3A_398 = vector.broadcast %reduce_min3A_222 : i32 to vector<16xi32>
    %broadcast_in_dim3A_399 = vector.broadcast %reduce_min3A_311 : i32 to vector<16xi32>
    %select_n3A_400 = arith.select %eq3A_397, %broadcast_in_dim3A_398, %broadcast_in_dim3A_399 : vector<16xi1>, vector<16xi32>
    %broadcast_in_dim3A_401 = vector.broadcast %reduce_min3A_133 : i32 to vector<16xi32>
    %select_n3A_402 = arith.select %eq3A_394, %broadcast_in_dim3A_401, %select_n3A_400 : vector<16xi1>, vector<16xi32>
    %add3A_403 = vector.broadcast %mul3A_71 : i32 to vector<16xi32>
    %add3A_404 = arith.addi %add3A_403, %select_n3A_402 : vector<16xi32>
    %gather3A = tpu.vector_load_idx %arg10[%add3A_404] : memref<8192xf32, #tpu.memory_space<vmem>>[vector<16xi32>], vector<16xf32>,
    %lt3A_405 = arith.constant 3 : i32
    %lt3A_406 = vector.broadcast %lt3A_405 : i32 to vector<16xi32>
    %lt3A_407 = arith.cmpi slt, %iota3A, %lt3A_406 : vector<16xi32>
    %jit3A_408 = arith.constant 0.000000e+00 : f32
    %broadcast_in_dim3A_409 = vector.broadcast %jit3A_408 : f32 to vector<16xf32>
    %select_n3A_410 = arith.select %lt3A_407, %gather3A, %broadcast_in_dim3A_409 : vector<16xi1>, vector<16xf32>
    %reduce_sum3A = arith.constant true
    %reduce_sum3A_411 = vector.broadcast %reduce_sum3A : i1 to vector<16xi1>
    %reduce_sum3A_412 = tpu.scan <sum>, %select_n3A_410 masked %reduce_sum3A_411 : vector<16xf32>, vector<16xi1> -> vector<16xf32>
    %reduce_sum3A_413 = vector.extract %reduce_sum3A_412[15] : f32 from vector<16xf32>
    %mul3A_414 = arith.constant 0.333333343 : f32
    %mul3A_415 = arith.mulf %reduce_sum3A_413, %mul3A_414 : f32
    %dma_wait3A_416 = arith.constant 0 : i32
    %dma_wait3A_417 = arith.constant 0 : i32
    %dma_wait3A_418 = tpu.memref_slice %arg6[%dma_wait3A_416, %dma_wait3A_417] : memref<131072x256xf32, #tpu.memory_space<hbm>> -> memref<131072x256xf32, #tpu.memory_space<hbm>>
    tpu.wait_indirect_dma semaphore(%arg19 : memref<!tpu.dma_semaphore, #tpu.memory_space<semaphore_mem>>) src(%dma_wait3A_418 : memref<131072x256xf32, #tpu.memory_space<hbm>>) dst(%arg12 : memref<8x256xf32, #tpu.memory_space<vmem>>)
    %dma_wait3A_419 = arith.constant 0 : i32
    %dma_wait3A_420 = arith.constant 0 : i32
    %dma_wait3A_421 = tpu.memref_slice %arg7[%dma_wait3A_419, %dma_wait3A_420] : memref<131072x256xf32, #tpu.memory_space<hbm>> -> memref<131072x256xf32, #tpu.memory_space<hbm>>
    tpu.wait_indirect_dma semaphore(%arg20 : memref<!tpu.dma_semaphore, #tpu.memory_space<semaphore_mem>>) src(%dma_wait3A_421 : memref<131072x256xf32, #tpu.memory_space<hbm>>) dst(%arg13 : memref<8x256xf32, #tpu.memory_space<vmem>>)
    %broadcast_in_dim3A_422 = arith.constant 0.000000e+00 : f32
    %broadcast_in_dim3A_423 = vector.broadcast %broadcast_in_dim3A_422 : f32 to vector<16xf32>
    %scan3A = arith.constant 0.333333343 : f32
    %scan3A_424 = arith.constant 0 : i32
    %scan3A_425 = arith.constant 16 : i32
    %scan3A_426 = arith.addi %scan3A_424, %scan3A_425 : i32
    %scan3A_427 = arith.constant 1 : i32
    %scan3A_428:2 = scf.for %scan3A_456 = %scan3A_424 to %scan3A_426 step %scan3A_427 iter_args(%scan3A_457 = %broadcast_in_dim3A_423, %scan3A_458 = %broadcast_in_dim3A_423) -> (vector<16xf32>, vector<16xf32>)  : i32 {
      %mul3A_459 = arith.constant 16 : i32
      %mul3A_460 = arith.muli %scan3A_456, %mul3A_459 : i32
      %get3A = arith.constant 0 : i32
      %get3A_461 = arith.index_cast %get3A : i32 to index
      %get3A_462 = arith.index_cast %mul3A_460 : i32 to index
      %get3A_463 = tpu.vector_load %arg12[%get3A_461, %get3A_462] {strides = array<i32>} : memref<8x256xf32, #tpu.memory_space<vmem>>, vector<16xf32>,
      %get3A_464 = arith.constant 0 : i32
      %get3A_465 = arith.index_cast %get3A_464 : i32 to index
      %get3A_466 = arith.index_cast %mul3A_460 : i32 to index
      %get3A_467 = tpu.vector_load %arg13[%get3A_465, %get3A_466] {strides = array<i32>} : memref<8x256xf32, #tpu.memory_space<vmem>>, vector<16xf32>,
      %select_n3A_468 = arith.select %eq3A_371, %get3A_463, %get3A_467 : vector<16xi1>, vector<16xf32>
      %get3A_469 = arith.constant 1 : i32
      %get3A_470 = arith.index_cast %get3A_469 : i32 to index
      %get3A_471 = arith.index_cast %mul3A_460 : i32 to index
      %get3A_472 = tpu.vector_load %arg12[%get3A_470, %get3A_471] {strides = array<i32>} : memref<8x256xf32, #tpu.memory_space<vmem>>, vector<16xf32>,
      %get3A_473 = arith.constant 1 : i32
      %get3A_474 = arith.index_cast %get3A_473 : i32 to index
      %get3A_475 = arith.index_cast %mul3A_460 : i32 to index
      %get3A_476 = tpu.vector_load %arg13[%get3A_474, %get3A_475] {strides = array<i32>} : memref<8x256xf32, #tpu.memory_space<vmem>>, vector<16xf32>,
      %select_n3A_477 = arith.select %eq3A_371, %get3A_472, %get3A_476 : vector<16xi1>, vector<16xf32>
      %add3A_478 = arith.addf %select_n3A_468, %select_n3A_477 : vector<16xf32>
      %get3A_479 = arith.constant 2 : i32
      %get3A_480 = arith.index_cast %get3A_479 : i32 to index
      %get3A_481 = arith.index_cast %mul3A_460 : i32 to index
      %get3A_482 = tpu.vector_load %arg12[%get3A_480, %get3A_481] {strides = array<i32>} : memref<8x256xf32, #tpu.memory_space<vmem>>, vector<16xf32>,
      %get3A_483 = arith.constant 2 : i32
      %get3A_484 = arith.index_cast %get3A_483 : i32 to index
      %get3A_485 = arith.index_cast %mul3A_460 : i32 to index
      %get3A_486 = tpu.vector_load %arg13[%get3A_484, %get3A_485] {strides = array<i32>} : memref<8x256xf32, #tpu.memory_space<vmem>>, vector<16xf32>,
      %select_n3A_487 = arith.select %eq3A_371, %get3A_482, %get3A_486 : vector<16xi1>, vector<16xf32>
      %add3A_488 = arith.addf %add3A_478, %select_n3A_487 : vector<16xf32>
      %mul3A_489 = vector.broadcast %scan3A : f32 to vector<16xf32>
      %mul3A_490 = arith.mulf %add3A_488, %mul3A_489 : vector<16xf32>
      %get3A_491 = arith.constant 3 : i32
      %get3A_492 = arith.index_cast %get3A_491 : i32 to index
      %get3A_493 = arith.index_cast %mul3A_460 : i32 to index
      %get3A_494 = tpu.vector_load %arg12[%get3A_492, %get3A_493] {strides = array<i32>} : memref<8x256xf32, #tpu.memory_space<vmem>>, vector<16xf32>,
      %get3A_495 = arith.constant 3 : i32
      %get3A_496 = arith.index_cast %get3A_495 : i32 to index
      %get3A_497 = arith.index_cast %mul3A_460 : i32 to index
      %get3A_498 = tpu.vector_load %arg13[%get3A_496, %get3A_497] {strides = array<i32>} : memref<8x256xf32, #tpu.memory_space<vmem>>, vector<16xf32>,
      %select_n3A_499 = arith.select %eq3A_371, %get3A_494, %get3A_498 : vector<16xi1>, vector<16xf32>
      %get3A_500 = arith.constant 4 : i32
      %get3A_501 = arith.index_cast %get3A_500 : i32 to index
      %get3A_502 = arith.index_cast %mul3A_460 : i32 to index
      %get3A_503 = tpu.vector_load %arg12[%get3A_501, %get3A_502] {strides = array<i32>} : memref<8x256xf32, #tpu.memory_space<vmem>>, vector<16xf32>,
      %get3A_504 = arith.constant 4 : i32
      %get3A_505 = arith.index_cast %get3A_504 : i32 to index
      %get3A_506 = arith.index_cast %mul3A_460 : i32 to index
      %get3A_507 = tpu.vector_load %arg13[%get3A_505, %get3A_506] {strides = array<i32>} : memref<8x256xf32, #tpu.memory_space<vmem>>, vector<16xf32>,
      %select_n3A_508 = arith.select %eq3A_371, %get3A_503, %get3A_507 : vector<16xi1>, vector<16xf32>
      %add3A_509 = arith.addf %select_n3A_499, %select_n3A_508 : vector<16xf32>
      %get3A_510 = arith.constant 5 : i32
      %get3A_511 = arith.index_cast %get3A_510 : i32 to index
      %get3A_512 = arith.index_cast %mul3A_460 : i32 to index
      %get3A_513 = tpu.vector_load %arg12[%get3A_511, %get3A_512] {strides = array<i32>} : memref<8x256xf32, #tpu.memory_space<vmem>>, vector<16xf32>,
      %get3A_514 = arith.constant 5 : i32
      %get3A_515 = arith.index_cast %get3A_514 : i32 to index
      %get3A_516 = arith.index_cast %mul3A_460 : i32 to index
      %get3A_517 = tpu.vector_load %arg13[%get3A_515, %get3A_516] {strides = array<i32>} : memref<8x256xf32, #tpu.memory_space<vmem>>, vector<16xf32>,
      %select_n3A_518 = arith.select %eq3A_371, %get3A_513, %get3A_517 : vector<16xi1>, vector<16xf32>
      %add3A_519 = arith.addf %add3A_509, %select_n3A_518 : vector<16xf32>
      %mul3A_520 = vector.broadcast %scan3A : f32 to vector<16xf32>
      %mul3A_521 = arith.mulf %add3A_519, %mul3A_520 : vector<16xf32>
      %mul3A_522 = arith.mulf %mul3A_490, %mul3A_490 : vector<16xf32>
      %add3A_523 = arith.addf %scan3A_457, %mul3A_522 : vector<16xf32>
      %mul3A_524 = arith.mulf %mul3A_521, %mul3A_521 : vector<16xf32>
      %add3A_525 = arith.addf %scan3A_458, %mul3A_524 : vector<16xf32>
      scf.yield %add3A_523, %add3A_525 : vector<16xf32>, vector<16xf32>
    }
    %scan3A_429 = arith.constant 16 : i32
    %reduce_sum3A_430 = arith.constant true
    %reduce_sum3A_431 = vector.broadcast %reduce_sum3A_430 : i1 to vector<16xi1>
    %reduce_sum3A_432 = tpu.scan <sum>, %scan3A_428#0 masked %reduce_sum3A_431 : vector<16xf32>, vector<16xi1> -> vector<16xf32>
    %reduce_sum3A_433 = vector.extract %reduce_sum3A_432[15] : f32 from vector<16xf32>
    %reduce_sum3A_434 = arith.constant true
    %reduce_sum3A_435 = vector.broadcast %reduce_sum3A_434 : i1 to vector<16xi1>
    %reduce_sum3A_436 = tpu.scan <sum>, %scan3A_428#1 masked %reduce_sum3A_435 : vector<16xf32>, vector<16xi1> -> vector<16xf32>
    %reduce_sum3A_437 = vector.extract %reduce_sum3A_436[15] : f32 from vector<16xf32>
    %eq3A_438 = arith.constant 0 : i32
    %eq3A_439 = vector.broadcast %eq3A_438 : i32 to vector<16xi32>
    %eq3A_440 = arith.cmpi eq, %iota3A, %eq3A_439 : vector<16xi32>
    %eq3A_441 = arith.constant 1 : i32
    %eq3A_442 = vector.broadcast %eq3A_441 : i32 to vector<16xi32>
    %eq3A_443 = arith.cmpi eq, %iota3A, %eq3A_442 : vector<16xi32>
    %eq3A_444 = arith.constant 2 : i32
    %eq3A_445 = vector.broadcast %eq3A_444 : i32 to vector<16xi32>
    %eq3A_446 = arith.cmpi eq, %iota3A, %eq3A_445 : vector<16xi32>
    %jit3A_447 = arith.constant 0.000000e+00 : f32
    %broadcast_in_dim3A_448 = vector.broadcast %mul3A_415 : f32 to vector<16xf32>
    %broadcast_in_dim3A_449 = vector.broadcast %jit3A_447 : f32 to vector<16xf32>
    %select_n3A_450 = arith.select %eq3A_446, %broadcast_in_dim3A_448, %broadcast_in_dim3A_449 : vector<16xi1>, vector<16xf32>
    %broadcast_in_dim3A_451 = vector.broadcast %reduce_sum3A_437 : f32 to vector<16xf32>
    %select_n3A_452 = arith.select %eq3A_443, %broadcast_in_dim3A_451, %select_n3A_450 : vector<16xi1>, vector<16xf32>
    %broadcast_in_dim3A_453 = vector.broadcast %reduce_sum3A_433 : f32 to vector<16xf32>
    %select_n3A_454 = arith.select %eq3A_440, %broadcast_in_dim3A_453, %select_n3A_452 : vector<16xi1>, vector<16xf32>
    %swap3A = arith.constant 0 : index
    %swap3A_455 = tpu.vector_load %arg14[%swap3A] {strides = array<i32>} : memref<16xf32, #tpu.memory_space<vmem>>, vector<16xf32>,
    tpu.vector_store %arg14[%swap3A], %select_n3A_454 {strides = array<i32>} : memref<16xf32, #tpu.memory_space<vmem>>, vector<16xf32>,
    "tpu.region"() ({
      %run_scoped3A = tpu.sem_alloc : memref<!tpu.dma_semaphore, #tpu.memory_space<semaphore_mem>>
      %dma_start3A_456 = arith.constant 0 : i32
      %dma_start3A_457 = tpu.memref_slice %arg8[%select_n3A, %select_n3A_30, %dma_start3A_456] : memref<2x16x16xf32, #tpu.memory_space<hbm>> -> memref<1x1x16xf32, #tpu.memory_space<hbm>>
      %dma_start3A_458 = tpu.memref_squeeze %dma_start3A_457 : memref<1x1x16xf32, #tpu.memory_space<hbm>> -> memref<16xf32, #tpu.memory_space<hbm>>
      %dma_start3A_459 = arith.constant 0 : i32
      %dma_start3A_460 = tpu.memref_slice %arg8[%select_n3A, %select_n3A_30, %dma_start3A_459] : memref<2x16x16xf32, #tpu.memory_space<hbm>> -> memref<1x1x16xf32, #tpu.memory_space<hbm>>
      %dma_start3A_461 = tpu.memref_squeeze %dma_start3A_460 : memref<1x1x16xf32, #tpu.memory_space<hbm>> -> memref<16xf32, #tpu.memory_space<hbm>>
      tpu.enqueue_dma source(%arg14 : memref<16xf32, #tpu.memory_space<vmem>>) target(%dma_start3A_461 : memref<16xf32, #tpu.memory_space<hbm>>) target_semaphore(%run_scoped3A : memref<!tpu.dma_semaphore, #tpu.memory_space<semaphore_mem>>)
      %dma_wait3A_462 = arith.constant 0 : i32
      %dma_wait3A_463 = tpu.memref_slice %arg8[%select_n3A, %select_n3A_30, %dma_wait3A_462] : memref<2x16x16xf32, #tpu.memory_space<hbm>> -> memref<1x1x16xf32, #tpu.memory_space<hbm>>
      %dma_wait3A_464 = tpu.memref_squeeze %dma_wait3A_463 : memref<1x1x16xf32, #tpu.memory_space<hbm>> -> memref<16xf32, #tpu.memory_space<hbm>>
      %dma_wait3A_465 = arith.constant 0 : i32
      %dma_wait3A_466 = tpu.memref_slice %arg8[%select_n3A, %select_n3A_30, %dma_wait3A_465] : memref<2x16x16xf32, #tpu.memory_space<hbm>> -> memref<1x1x16xf32, #tpu.memory_space<hbm>>
      %dma_wait3A_467 = tpu.memref_squeeze %dma_wait3A_466 : memref<1x1x16xf32, #tpu.memory_space<hbm>> -> memref<16xf32, #tpu.memory_space<hbm>>
      tpu.wait_dma2 semaphore(%run_scoped3A : memref<!tpu.dma_semaphore, #tpu.memory_space<semaphore_mem>>) src(%arg14 : memref<16xf32, #tpu.memory_space<vmem>>) dst(%dma_wait3A_467 : memref<16xf32, #tpu.memory_space<hbm>>)
      tpu.yield
    }) : () -> ()
    return
  }
}

module attributes {stable_mosaic.version = 14 : i64} {
  func.func @_tc_body(%arg0: memref<2x16x16xf32, #tpu.memory_space<vmem>>, %arg1: memref<2xf32, #tpu.memory_space<smem>>) attributes {dimension_semantics = [], scalar_prefetch = 0 : i64, scratch_operands = 0 : i64, tpu.core_type = #tpu.core_type<tc>} {
    %get3A = arith.constant 0 : index
    %get3A_0 = arith.constant 0 : index
    %get3A_1 = arith.constant 0 : index
    %get3A_2 = vector.load %arg0[%get3A, %get3A_0, %get3A_1] : memref<2x16x16xf32, #tpu.memory_space<vmem>>, vector<2x16x16xf32>
    %slice3A = vector.extract_strided_slice %get3A_2 {offsets = [0, 0, 0], sizes = [1, 16, 2], strides = [1, 1, 1]} : vector<2x16x16xf32> to vector<1x16x2xf32>
    %squeeze3A = vector.shape_cast %slice3A : vector<1x16x2xf32> to vector<16x2xf32>
    %sqrt3A = math.sqrt %squeeze3A : vector<16x2xf32>
    %sub3A = arith.constant 1.000000e+02 : f32
    %sub3A_3 = vector.broadcast %sub3A : f32 to vector<16x2xf32>
    %sub3A_4 = arith.subf %sub3A_3, %sqrt3A : vector<16x2xf32>
    %abs3A = math.absf %sub3A_4 : vector<16x2xf32>
    %slice3A_5 = vector.extract_strided_slice %get3A_2 {offsets = [1, 0, 0], sizes = [1, 16, 2], strides = [1, 1, 1]} : vector<2x16x16xf32> to vector<1x16x2xf32>
    %squeeze3A_6 = vector.shape_cast %slice3A_5 : vector<1x16x2xf32> to vector<16x2xf32>
    %sqrt3A_7 = math.sqrt %squeeze3A_6 : vector<16x2xf32>
    %add3A = arith.addf %abs3A, %sqrt3A_7 : vector<16x2xf32>
    %integer_pow3A = arith.mulf %add3A, %add3A : vector<16x2xf32>
    %reduce_sum3A = vector.shape_cast %integer_pow3A : vector<16x2xf32> to vector<1x16x2xf32>
    %reduce_sum3A_8 = arith.constant dense<0.000000e+00> : vector<1xf32>
    %reduce_sum3A_9 = vector.multi_reduction <add>, %reduce_sum3A, %reduce_sum3A_8 [1, 2] : vector<1x16x2xf32> to vector<1xf32>
    %reduce_sum3A_10 = vector.shape_cast %reduce_sum3A_9 : vector<1xf32> to vector<1x1x1xf32>
    %reduce_sum3A_11 = vector.extract %reduce_sum3A_10[0, 0, 0] : f32 from vector<1x1x1xf32>
    %div3A = arith.constant 3.200000e+01 : f32
    %div3A_12 = arith.divf %reduce_sum3A_11, %div3A : f32
    %slice3A_13 = vector.extract_strided_slice %get3A_2 {offsets = [0, 0, 2], sizes = [1, 16, 1], strides = [1, 1, 1]} : vector<2x16x16xf32> to vector<1x16x1xf32>
    %squeeze3A_14 = vector.shape_cast %slice3A_13 : vector<1x16x1xf32> to vector<16xf32>
    %slice3A_15 = vector.extract_strided_slice %get3A_2 {offsets = [1, 0, 2], sizes = [1, 16, 1], strides = [1, 1, 1]} : vector<2x16x16xf32> to vector<1x16x1xf32>
    %squeeze3A_16 = vector.shape_cast %slice3A_15 : vector<1x16x1xf32> to vector<16xf32>
    %log3A = math.log %squeeze3A_14 : vector<16xf32>
    %max3A = arith.constant -1.000000e+02 : f32
    %max3A_17 = vector.broadcast %max3A : f32 to vector<16xf32>
    %max3A_18 = arith.maximumf %log3A, %max3A_17 : vector<16xf32>
    %reduce_sum3A_19 = vector.shape_cast %max3A_18 : vector<16xf32> to vector<1x16xf32>
    %reduce_sum3A_20 = arith.constant dense<0.000000e+00> : vector<1xf32>
    %reduce_sum3A_21 = vector.multi_reduction <add>, %reduce_sum3A_19, %reduce_sum3A_20 [1] : vector<1x16xf32> to vector<1xf32>
    %reduce_sum3A_22 = vector.shape_cast %reduce_sum3A_21 : vector<1xf32> to vector<1x1xf32>
    %reduce_sum3A_23 = vector.extract %reduce_sum3A_22[0, 0] : f32 from vector<1x1xf32>
    %div3A_24 = arith.constant 1.600000e+01 : f32
    %div3A_25 = arith.divf %reduce_sum3A_23, %div3A_24 : f32
    %neg3A = arith.constant 0.000000e+00 : f32
    %neg3A_26 = arith.subf %neg3A, %div3A_25 : f32
    %sub3A_27 = arith.constant 1.000000e+00 : f32
    %sub3A_28 = vector.broadcast %sub3A_27 : f32 to vector<16xf32>
    %sub3A_29 = arith.subf %sub3A_28, %squeeze3A_16 : vector<16xf32>
    %log3A_30 = math.log %sub3A_29 : vector<16xf32>
    %max3A_31 = arith.constant -1.000000e+02 : f32
    %max3A_32 = vector.broadcast %max3A_31 : f32 to vector<16xf32>
    %max3A_33 = arith.maximumf %log3A_30, %max3A_32 : vector<16xf32>
    %reduce_sum3A_34 = vector.shape_cast %max3A_33 : vector<16xf32> to vector<1x16xf32>
    %reduce_sum3A_35 = arith.constant dense<0.000000e+00> : vector<1xf32>
    %reduce_sum3A_36 = vector.multi_reduction <add>, %reduce_sum3A_34, %reduce_sum3A_35 [1] : vector<1x16xf32> to vector<1xf32>
    %reduce_sum3A_37 = vector.shape_cast %reduce_sum3A_36 : vector<1xf32> to vector<1x1xf32>
    %reduce_sum3A_38 = vector.extract %reduce_sum3A_37[0, 0] : f32 from vector<1x1xf32>
    %div3A_39 = arith.constant 1.600000e+01 : f32
    %div3A_40 = arith.divf %reduce_sum3A_38, %div3A_39 : f32
    %neg3A_41 = arith.constant 0.000000e+00 : f32
    %neg3A_42 = arith.subf %neg3A_41, %div3A_40 : f32
    %mul3A = arith.constant 9.99999974E-5 : f32
    %mul3A_43 = arith.mulf %mul3A, %div3A_12 : f32
    %swap3A = arith.constant 0 : index
    %swap3A_44 = memref.load %arg1[%swap3A] : memref<2xf32, #tpu.memory_space<smem>>
    memref.store %mul3A_43, %arg1[%swap3A] : memref<2xf32, #tpu.memory_space<smem>>
    %add3A_45 = arith.addf %neg3A_26, %neg3A_42 : f32
    %swap3A_46 = arith.constant 1 : index
    %swap3A_47 = memref.load %arg1[%swap3A_46] : memref<2xf32, #tpu.memory_space<smem>>
    memref.store %add3A_45, %arg1[%swap3A_46] : memref<2xf32, #tpu.memory_space<smem>>
    return
  }
}

</mosaic_0001>

<sc_bundles>
// kernel: kernel.4.cloned.1.call-start
scs
__scs_entry_jumppad:
0x0: {  	(pc) =	sbr.rel $0x88, $3  }
0x1: {  	(tag) =	ssettag $0x0;
	lr =	simm.s32 $0x1  }
0x2: {  	[smem:$0x3F9B] =	sst lr;
	_ =	strace $0xD0000000  }
0x3: {  	_ = 	snop  }
0x4: {  	_ = 	snop  }
0x5: {  	_ = 	snop  }
0x6: {  	_ = 	snop  }
0x7: {  	_ = 	snop  }
__scs_overlays_trampoline_lowered:
0x8: {  	[smem:$0x3FAA] =	sst s0  }
0x9: {  	[smem:$0x3FAB] =	sst s1  }
0xa: {  	[smem:$0x3FAC] =	sst s2  }
0xb: {  	[smem:$0x3FAD] =	sst s3  }
0xc: {  	[smem:$0x3FAE] =	sst s4  }
0xd: {  	[smem:$0x3FAF] =	sst s5  }
0xe: {  	[smem:$0x3FB0] =	sst s6  }
0xf: {  	[smem:$0x3FB1] =	sst s7  }
0x10: {  	[smem:$0x3FB2] =	sst s8  }
0x11: {  	[smem:$0x3FB3] =	sst s9;
	s0 =	simm.s32 @!p0 $0x0  }
0x12: {  	s1 =	sld [smem:$0x3F99];
	s0 =	simm.s32 @p0 $0x1  }
0x13: {  	[smem:$0x3FB4] =	sst s0;
	s0 =	simm.s32 @!p1 $0x0  }
0x14: {  	s2 =	sld [smem:$0x3F98];
	s0 =	simm.s32 @p1 $0x1  }
0x15: {  	[smem:$0x3FB5] =	sst s0;
	s0 =	simm.s32 @!p2 $0x0  }
0x16: {  	s3 =	sld [smem:$0x3FDB];
	s0 =	simm.s32 @p2 $0x1  }
0x17: {  	s4 =	simm.s32 $0x1BF5;
	[smem:$0x3FB7] =	sst s0  }
0x18: {  	s0 =	sld [smem:$0x3F9A];
	_ =	swait.ge [sflag:s4], $0x0  }
0x19: {  	s7 =	sld [smem:$0x3F9B]  }
0x1a: {  	s8 =	sadd.s32 $0xFFFFE003, lr  }
0x1b: {  	s9 =	sadd.s32 $0xFFFFFEF7, lr;
	s5 =	simm.s32 $0xFFFFFFFF;
	p2 =	slt.u32 s8, $0xFFFFF086  }
0x1c: {  	p1 =	slt.u32 s9, $0xF7A;
	s5 =	simm.s32 @!p2 $0x0  }
0x1d: {  	s5 =	simm.s32 @p1 $0x1;
	p0 =	seq.s32 s7, s2  }
0x1e: {  	s7 =	smul.u32 @!p0 $0xF7A, s2;
	p2 =	seq.s32 @!p0 s5, $0x0  }
0x1f: {  	s9 =	smul.u32 $0xF7A, s1;
	s8 =	simm.s32 @!p0 $0x1BF5;
	p2 =	por !p2, p0  }
0x20: {  	[sflag:s8] =	ssyncset.s32 @!p0 $0xFFFFF086;
	s6 =	sadd.s32 @!p0 s3, s7;
	s7 =	simm.s32 @!p0 $0x108  }
0x21: {  	s3 =	sadd.s32 s3, s9;
	s6 =	sadd.s32 @!p0 $0x88, s6;
	s7 =	simm.s32 @p2 $0x1082  }
0x22: {  	[simem:s7], [sflag:s8] =	dma.local @!p0 [hbm:s6], $0xF7A  }
0x23: {  	s9 =	sor.u32 $0xD0000000, s2;
	s6 =	simm.s32 $0x108;
	_ =	swait.ge @!p0 [sflag:s8], $0x0  }
0x24: {  	s3 =	sadd.s32 $0x88, s3;
	s6 =	simm.s32 @!p1 $0x1082;
	[sflag:s4] =	ssyncset.s32 $0xFFFFF086  }
0x25: {  	[simem:s6], [sflag:s4] =	dma.local [hbm:s3], $0xF7A  }
0x26: {  	[smem:$0x3F9B] =	sst s1;
	(tag) =	ssettag s2;
	_ =	strace s9  }
0x27: {  	s1 =	sld [smem:$0x3FAB]  }
0x28: {  	s2 =	sld [smem:$0x3FAC]  }
0x29: {  	s4 =	sld [smem:$0x3FAE]  }
0x2a: {  	p0 =	seq.s32 s5, $0x0;
	s5 =	sld [smem:$0x3FAF]  }
0x2b: {  	s6 =	sld [smem:$0x3FB0]  }
0x2c: {  	s7 =	sld [smem:$0x3FB1]  }
0x2d: {  	s3 =	simm.s32 $0x108;
	s8 =	sld [smem:$0x3FB2]  }
0x2e: {  	s3 =	simm.s32 @!p0 $0x1082;
	s9 =	sld [smem:$0x3FB3]  }
0x2f: {  	lr =	sadd.s32 s0, s3;
	s0 =	sld [smem:$0x3FAA]  }
0x30: {  	s3 =	sld [smem:$0x3FAD]  }
0x31: {  	[smem:$0x3FB6] =	sst s10  }
0x32: {  	s10 =	sld [smem:$0x3FB4];
	_ =	sdelay $0x3  }
0x33: {  	p0 =	seq.s32 s10, $0x1;
	s10 =	sld [smem:$0x3FB6];
	_ =	sdelay $0x3  }
0x34: {  	[smem:$0x3FB6] =	sst s10  }
0x35: {  	s10 =	sld [smem:$0x3FB5];
	_ =	sdelay $0x3  }
0x36: {  	p1 =	seq.s32 s10, $0x1;
	s10 =	sld [smem:$0x3FB6];
	_ =	sdelay $0x3  }
0x37: {  	[smem:$0x3FB6] =	sst s10  }
0x38: {  	s10 =	sld [smem:$0x3FB7]  }
0x39: {  	_ = 	snop;
	(pc) =	sbr.ind lr, $3  }
0x3a: {  	_ = 	snop  }
0x3b: {  	_ = 	snop  }
0x3c: {  	p2 =	seq.s32 s10, $0x1;
	s10 =	sld [smem:$0x3FB6]  }
0x3d: {  	_ =	shalt  }
0x3e: {  	_ =	shalt  }
0x3f: {  	_ =	shalt  }
0x40: {  	_ =	shalt  }
0x41: {  	_ =	shalt  }
0x42: {  	_ =	shalt  }
0x43: {  	_ =	shalt  }
0x44: {  	_ =	shalt  }
0x45: {  	_ =	shalt  }
0x46: {  	_ =	shalt  }
0x47: {  	_ =	shalt  }
0x48: {  	_ =	shalt  }
0x49: {  	_ =	shalt  }
0x4a: {  	_ =	shalt  }
0x4b: {  	_ =	shalt  }
0x4c: {  	_ =	shalt  }
0x4d: {  	_ =	shalt  }
0x4e: {  	_ =	shalt  }
0x4f: {  	_ =	shalt  }
0x50: {  	_ =	shalt  }
0x51: {  	_ =	shalt  }
0x52: {  	_ =	shalt  }
0x53: {  	_ =	shalt  }
0x54: {  	_ =	shalt  }
0x55: {  	_ =	shalt  }
0x56: {  	_ =	shalt  }
0x57: {  	_ =	shalt  }
0x58: {  	_ =	shalt  }
0x59: {  	_ =	shalt  }
0x5a: {  	_ =	shalt  }
0x5b: {  	_ =	shalt  }
0x5c: {  	_ =	shalt  }
0x5d: {  	_ =	shalt  }
0x5e: {  	_ =	shalt  }
0x5f: {  	_ =	shalt  }
0x60: {  	_ =	shalt  }
0x61: {  	_ =	shalt  }
0x62: {  	_ =	shalt  }
0x63: {  	_ =	shalt  }
0x64: {  	_ =	shalt  }
0x65: {  	_ =	shalt  }
0x66: {  	_ =	shalt  }
0x67: {  	_ =	shalt  }
0x68: {  	_ =	shalt  }
0x69: {  	_ =	shalt  }
0x6a: {  	_ =	shalt  }
0x6b: {  	_ =	shalt  }
0x6c: {  	_ =	shalt  }
0x6d: {  	_ =	shalt  }
0x6e: {  	_ =	shalt  }
0x6f: {  	_ =	shalt  }
0x70: {  	_ =	shalt  }
0x71: {  	_ =	shalt  }
0x72: {  	_ =	shalt  }
0x73: {  	_ =	shalt  }
0x74: {  	_ =	shalt  }
0x75: {  	_ =	shalt  }
0x76: {  	_ =	shalt  }
0x77: {  	_ =	shalt  }
0x78: {  	_ =	shalt  }
0x79: {  	_ =	shalt  }
0x7a: {  	_ =	shalt  }
0x7b: {  	_ =	shalt  }
0x7c: {  	_ =	shalt  }
0x7d: {  	_ =	shalt  }
0x7e: {  	_ =	shalt  }
0x7f: {  	_ =	shalt  }
0x80: {  	_ =	shalt  }
0x81: {  	_ =	shalt  }
0x82: {  	_ =	shalt  }
0x83: {  	_ =	shalt  }
0x84: {  	_ =	shalt  }
0x85: {  	_ =	shalt  }
0x86: {  	_ =	shalt  }
0x87: {  	_ =	shalt  }
.Lfunc_end0:
.L_simem_size_0:
called_computation_lowered:
.L_overlay_start_0:
0x88: {  	s2 =	sld [smem:$0x3FD9]  }
0x89: {  	s3 =	sld [smem:$0x3FFE];
	_ =	sdelay $0x1  }
0x8a: {  	s1 =	srdreg.scid  }
0x8b: {  	s0 =	sand.u32 $0x1, s1  }
0x8c: {  	s17 =	sshll.u32 s0, $0xA;
	s2 =	sadd.s32 s3, s2  }
0x8d: {  	s2 =	sadd.s32 s2, s17  }
0x8e: {  	[smem:$0x3FC2] =	sst s2  }
0x8f: {  	_ = 	snop  }
0x90: {  	s2 =	sld [smem:$0x3FC9]  }
0x91: {  	s18 =	sld [smem:$0x3FC8]  }
0x92: {  	s4 =	sld [smem:$0x3FC7]  }
0x93: {  	s5 =	sld [smem:$0x3FC6]  }
0x94: {  	s6 =	sld [smem:$0x3FC5]  }
0x95: {  	s7 =	sld [smem:$0x3FC4];
	(tm) =	ssettm $0x1  }
0x96: {  	s8 =	sld [smem:$0x3FFB];
	_ =	sdelay $0x3  }
0x97: {  	_ =	strace s8  }
0x98: {  	s8 =	sld [smem:$0x3FFC];
	_ =	sdelay $0x3  }
0x99: {  	_ =	strace s8  }
0x9a: {  	s8 =	sld [smem:$0x3FFD];
	_ =	sdelay $0x3  }
0x9b: {  	_ =	strace s8  }
0x9c: {  	_ =	strace $0x8FFFFFFF  }
0x9d: {  	s19 =	sld [smem:$0x3FDB];
	_ =	sdelay $0x1  }
0x9e: {  	s9 =	simm.s32 $_scs_section_size  }
0x9f: {  	s10 =	simm.s32 $_size__tile_overlayer_lowered;
	s11 =	simm.s32 $_tile_overlayer_lowered  }
0xa0: {  	s22 =	simm.s32 $0x1BFF;
	s21 =	sshll.u32 s11, $0x1;
	s8 =	sadd.s32 s9, s19  }
0xa1: {  	s12 =	simm.s32 $0x0;
	s20 =	sshll.u32 s10, $0x1;
	s10 =	sadd.s32 s21, s8  }
0xa2: {  	[timem:s12], [sflag:s22] =	dma.local [hbm:s10], s20  }
0xa3: {  	_ =	swait.ge [sflag:s22], s20  }
0xa4: {  	s9 =	ssub.s32 $0x0, s20;
	[sflag:s22] =	ssyncset.done $0x0  }
0xa5: {  	[sflag:s22] =	ssyncadd.s32 s9;
	_ =	sdelay $0x1  }
0xa6: {  	s23 =	simm.s32 $0x1B8B  }
0xa7: {  	_ =	swait.ge [sflag:s23], $0x1  }
0xa8: {  	[sflag:s23] =	ssyncset.done $0x0  }
0xa9: {  	s25 =	simm.s32 $0x1B8E;
	s24 =	sld [smem:$0x3FFE];
	[sflag:s23] =	ssyncadd.s32 $0xFFFFFFFF  }
0xaa: {  	s26 =	simm.s32 $execute0_lowered;
	[smem:$0x3FD2] =	sst s25  }
0xab: {  	s10 =	sshll.u32 s26, $0x1;
	_ =	strace $0x80000046;
	[dreg:$0x1] =	wrdreg $0xFFFFFFFF  }
0xac: {  	s28 =	simm.s32 $_size_execute0_lowered;
	s8 =	sadd.s32 s8, s10;
	[dreg:$0x0] =	wrdreg $0x0  }
0xad: {  	s10 =	sshll.u32 s28, $0x1;
	[dreg:$0x2] =	wrdreg s8  }
0xae: {  	[dreg:$0x3] =	wrdreg s10  }
0xaf: {  	[dreg:$0x4] =	wrdreg $0xC0  }
0xb0: {  	_ =	task [dreg:s12], $0x5FFFF  }
0xb1: {  	[dreg:$0x1] =	wrdreg $0xFFFFFFFF  }
0xb2: {  	[dreg:$0x0] =	wrdreg $0x60  }
0xb3: {  	[dreg:$0x2] =	wrdreg s2  }
0xb4: {  	[dreg:$0x3] =	wrdreg s18  }
0xb5: {  	[dreg:$0x4] =	wrdreg s6  }
0xb6: {  	[dreg:$0x5] =	wrdreg s7  }
0xb7: {  	[dreg:$0x6] =	wrdreg s4  }
0xb8: {  	[dreg:$0x7] =	wrdreg s5  }
0xb9: {  	[dreg:$0x8] =	wrdreg s24  }
0xba: {  	[dreg:$0x9] =	wrdreg $0x9  }
0xbb: {  	_ =	task.clear_ibuf [dreg:s12], $0xAFFFF;
	_ =	strace $0x90000046  }
0xbc: {  	s29 =	simm.s32 $0x9;
	_ =	strace $0x80000048  }
0xbd: {  	_ =	swait.ge [sflag:s29], $0x1  }
0xbe: {  	[sflag:s29] =	ssyncadd.s32 $0xFFFFFFFF  }
0xbf: {  	_ =	strace $0x90000048  }
0xc0: {  	_ =	sfence  }
0xc1: {  	s30 =	sld [smem:$0x0];
	_ =	sdelay $0x2  }
0xc2: {  	s31 =	sshll.u32 s1, $0xD;
	s1 =	sshrl.u32 s1, $0x2  }
0xc3: {  	s3 =	sand.u32 $0x4000, s31;
	s1 =	sadd.s32 s1, s30  }
0xc4: {  	s0 =	sor.u32 s3, s0;
	s1 =	sshll.u32 s1, $0x11  }
0xc5: {  	s0 =	sor.u32 s1, s0  }
0xc6: {  	s0 =	sadd.s32 $0x8F2B, s0  }
0xc7: {  	[sflag:s0] =	ssyncadd.remote.s32 $0x1  }
0xc8: {  	_ =	sfence.sel $0xFFFF  }
0xc9: {  	[dreg:$0x0] =	wrdreg $0xFFFFFFFF;
	(pc) =	sbr.abs _section_cstart, $3  }
0xca: {  	[dreg:$0x1] =	wrdreg $0xFFFFFFFF  }
0xcb: {  	_ =	task.clear_ibuf [dreg:s12], $0x2FFFF;
	_ =	strace $0x9FFFFFFF  }
0xcc: {  	(tm) =	ssettm $0x7FFFFFFF  }
0xcd: {  	_ =	shalt  }
tec
execute0_lowered:
.L_overlay_start_1:
0x0: {  	(tag) =	ssettag $0x1  }
0x1: {  	s0 =	rddreg [dreg:$0x0]  }
0x2: {  	s1 =	rddreg [dreg:$0x1]  }
0x3: {  	s2 =	rddreg [dreg:$0x2]  }
0x4: {  	s3 =	rddreg [dreg:$0x3]  }
0x5: {  	s5 =	rddreg [dreg:$0x6];
	s4 =	simm.s32 $0x0;
	s8 =	stileid.u32  }
0x6: {  	s6 =	srdreg.scid;
	s15 =	simm.s32 $0x400;
	s17 =	simm.s32 $0x2000  }
0x7: {  	s19 =	simm.s32 $0x1;
	s20 =	simm.s32 $0x2;
	s28 =	simm.s32 $0x6  }
0x8: {  	s30 =	simm.s32 $0x7;
	s31 =	simm.s32 $0x0;
	[smem:$0x7FF] =	sst s4  }
0x9: {  	s7 =	sshll.u32 s8, $0x1;
	s6 =	sand.u32 $0x1, s6;
	s11 =	sshrl.u32 s8, $0x3  }
0xa: {  	_ =	strace $0x80000047;
	s7 =	sand.u32 $0xE, s7;
	s10 =	sshll.u32 s11, $0xB  }
0xb: {  	s29 =	sshll.u32 s11, $0xC;
	p0 =	seq.s32 s11, $0x0;
	s23 =	sor.u32 s6, s7  }
0xc: {  	s7 =	sshrl.u32 s7, $0x3;
	s6 =	ssub.s32 $0x2, s6;
	s9 =	sshll.u32 s23, $0x7  }
0xd: {  	s12 =	sshll.u32 s7, $0xA;
	s7 =	sshll.u32 s7, $0xF;
	s25 =	sshrl.u32 s6, $0x1  }
0xe: {  	s8 =	sshll.u32 s23, $0xC;
	s9 =	sand.u32 $0x380, s9;
	s10 =	sor.u32 s10, s12  }
0xf: {  	s14 =	ssub.s32 s6, s25;
	s25 =	simm.s32 $0x4;
	s10 =	sor.u32 s9, s10  }
0x10: {  	s7 =	sor.u32 s7, s9;
	s12 =	smax.u32 s14, $0x1;
	s14 =	simm.s32 $0x80  }
0x11: {  	s24 =	sshrl.u32 s10, $0x3;
	s26 =	sshrl.u32 s7, $0x3;
	s10 =	sor.u32 $0x10000, s8  }
0x12: {  	s13 =	sadd.s32 s24, s5;
	s5 =	sadd.s32 s0, s26;
	s6 =	sadd.s32 s1, s26  }
0x13: {  	v1 =	vlaneseq.u32;
	vm0 =	vcmask $0x3F08;
	s7 =	sadd.s32 s2, s26;
	s9 =	sadd.s32 s3, s26;
	s24 =	simm.s32 $0x3  }
0x14: {  	vm1 =	vcmask $0x704;
	vm2 =	vcmask $0x3F04;
	v0 =	vmov s29;
	s26 =	simm.s32 $0x5;
	s11 =	sadd.s32 $0x600, s13;
	s13 =	sor.u32 $0x40, s29  }
.LBB2_1:
0x15: {  	[tilespmem:s4], [sflag:$0x1] =	stream.strided.gather [hbm4b:s5+s14], $0x1000, s15, s14, $0x38;
	[tilespmem:$0x5100] =	vst v63  }
0x16: {  	s0 =	simm.s32 $0x1000  }
0x17: {  	[tilespmem:s0], [sflag:$0x2] =	stream.strided.gather [hbm4b:s6+s14], $0x1000, s15, s14, $0x38;
	[tilespmem:$0x5100] =	vst v63  }
0x18: {  	_ = 	snop  }
0x19: {  	[tilespmem:s17], [sflag:$0x3] =	stream.strided.gather [hbm4b:s7+s14], $0x1000, s15, s14, $0x38;
	[tilespmem:$0x5100] =	vst v63  }
0x1a: {  	s18 =	simm.s32 $0x3000  }
0x1b: {  	[tilespmem:s18], [sflag:$0x4] =	stream.strided.gather [hbm4b:s9+s14], $0x1000, s15, s14, $0x38;
	[tilespmem:$0x5100] =	vst v63  }
0x1c: {  	_ =	swait.ge [sflag:s19], $0x1000  }
0x1d: {  	[sflag:s19] =	ssyncset.done $0x0  }
0x1e: {  	[sflag:s19] =	ssyncadd.s32 $0xFFFFF000  }
0x1f: {  	_ =	swait.ge [sflag:s20], $0x1000  }
0x20: {  	[sflag:s20] =	ssyncset.done $0x0  }
0x21: {  	[sflag:s20] =	ssyncadd.s32 $0xFFFFF000  }
0x22: {  	v3 =	vld [tilespmem:s13+$0xFFFFFFF0]  }
0x23: {  	v4 =	vld [tilespmem:s13+$0xFFFFFFE0]  }
0x24: {  	v5 =	vld [tilespmem:s13+$0xFFFFFFC0]  }
0x25: {  	v6 =	vld [tilespmem:s13+$0xFFFFFFD0]  }
0x26: {  	v7 =	vimm.f32 $-3.000000010e+38;
	v26 =	vimm.s32 $0x0;
	s21 =	simm.s32 $0x40;
	s1 =	simm.s32 $0x20;
	v9 =	vor.u32 s4, v1;
	s22 =	simm.s32 $0x60  }
0x27: {  	s2 =	simm.s32 $0x70;
	s3 =	simm.s32 $0x10;
	s23 =	simm.s32 $0x50;
	v2 =	vor.u32 s21, v1;
	v10 =	vor.u32 s1, v1;
	v16 =	vor.u32 s22, v1  }
0x28: {  	v14 =	vor.u32 s2, v1;
	v12 =	vor.u32 s3, v1;
	v15 =	vor.u32 s23, v1;
	v8 =	vld [tilespmem:s13+$0x0]  }
0x29: {  	s29 =	simm.s32 $0x30;
	vm7 =	vgt.f32 v3, v7;
	vm4 =	vgt.f32 v4, v7;
	vm6 =	vgt.f32 v5, v7  }
0x2a: {  	v13 =	vld [tilespmem:s13+$0x30];
	vm8 =	vgt.f32 v6, v7;
	v19 =	vsel vm7, v3, v7;
	v3 =	vor.u32 s29, v1  }
0x2b: {  	v25 =	vld [tilespmem:s13+$0x20];
	v11 =	vsel vm6, v9, v26;
	v23 =	vsel vm6, v5, v7;
	v6 =	vsel vm8, v6, v7  }
0x2c: {  	v12 =	vsel vm8, v12, v26;
	v28 =	vsel vm4, v10, v26;
	v31 =	vsel vm4, v4, v7  }
0x2d: {  	v24 =	vsel vm7, v7, v19;
	vm3 =	vgt.f32 v8, v23;
	v22 =	vsel vm8, v26, v12  }
0x2e: {  	v9 =	vld [tilespmem:s13+$0x10];
	v10 =	vsel vm8, v7, v6;
	v20 =	vsel vm4, v7, v31;
	v30 =	vsel vm7, v3, v26  }
0x2f: {  	v3 =	vsel vm4, v26, v28;
	vm10 =	vgt.f32 v13, v19;
	vm5 =	vgt.f32 v13, v24  }
0x30: {  	v5 =	vsel vm3, v2, v11;
	vm4 =	vgt.f32 v25, v20;
	v32 =	vsel vm7, v26, v30  }
0x31: {  	vm7 =	vgt.f32 v25, v31;
	v27 =	vsel vm5, v13, v24;
	v21 =	vsel vm4, v25, v20  }
0x32: {  	v33 =	vsel vm4, v16, v3;
	v34 =	vsel vm5, v14, v32;
	v35 =	vsel vm4, v25, v20  }
0x33: {  	v4 =	vsel vm4, v3, v33;
	v3 =	vsel vm10, v30, v34;
	vm8 =	vgt.f32 v9, v10  }
0x34: {  	v24 =	vsel vm5, v24, v27;
	vm9 =	vgt.f32 v9, v6;
	v17 =	vsel vm8, v9, v10  }
0x35: {  	v18 =	vsel vm9, v9, v6;
	v29 =	vsel vm8, v15, v22;
	v9 =	vsel vm9, v15, v12  }
0x36: {  	v15 =	vsel vm8, v10, v17;
	v17 =	vsel vm9, v6, v17;
	v10 =	vsel vm9, v12, v29  }
0x37: {  	v12 =	vsel vm8, v22, v29;
	v29 =	vsel vm10, v13, v19;
	v13 =	vsel vm10, v14, v30  }
0x38: {  	v22 =	vsel vm10, v19, v27;
	v6 =	vsel vm5, v32, v34;
	v30 =	vsel vm6, v7, v23  }
0x39: {  	v14 =	vsel vm7, v28, v33;
	v19 =	vsel vm7, v31, v35;
	vm5 =	vgt.f32 v8, v30  }
0x3a: {  	v32 =	vsel vm6, v26, v11;
	v26 =	vsel vm6, v26, v11;
	v33 =	vsel vm5, v8, v30  }
0x3b: {  	s2 =	sadd.s32 $0x80, s13;
	s1 =	simm.s32 $0x0;
	s0 =	simm.s32 $0x0;
	v27 =	vsel vm5, v2, v32;
	vm6 =	vmmov vm5;
	v7 =	vsel vm3, v23, v33  }
.LBB2_2:
0x3c: {  	v36 =	vld [tilespmem:s2+$0xFFFFFFF0];
	s0 =	sadd.s32 $0x2, s0;
	v30 =	vsel vm5, v30, v33;
	v2 =	vsel vm6, v2, v26;
	v37 =	vsel vm7, v16, v28;
	s1 =	sadd.s32 $0x80, s1;
	v26 =	vmovc v5  }
0x3d: {  	v27 =	vsel vm3, v11, v27;
	v39 =	vsel vm7, v25, v31;
	v20 =	vsel vm4, v20, v21;
	v38 =	vld [tilespmem:s2+$0xFFFFFFE0];
	p1 =	slt.u32 s0, $0x3E  }
0x3e: {  	v34 =	vsel vm3, v8, v23;
	s3 =	sadd.s32 $0x40, s1;
	v32 =	vsel vm5, v32, v2;
	v35 =	vld [tilespmem:s2+$0xFFFFFFC0]  }
0x3f: {  	v33 =	vor.u32 s1, v1;
	s16 =	sadd.s32 $0x20, s1;
	s18 =	sadd.s32 $0x70, s1;
	v2 =	vor.u32 s3, v1;
	s3 =	sadd.s32 $0x60, s1;
	v8 =	vld [tilespmem:s2+$0x0]  }
0x40: {  	s21 =	sadd.s32 $0x10, s1;
	v28 =	vor.u32 s16, v1;
	s16 =	sadd.s32 $0x50, s1;
	v40 =	vor.u32 s18, v1;
	v16 =	vor.u32 s3, v1;
	v21 =	vld [tilespmem:s2+$0xFFFFFFD0]  }
0x41: {  	v41 =	vor.u32 s21, v1;
	v42 =	vor.u32 s16, v1;
	vm4 =	vgt.f32 v36, v24;
	v43 =	vld [tilespmem:s2+$0x30]  }
0x42: {  	s3 =	sadd.s32 $0x30, s1;
	vm6 =	vgt.f32 v36, v29;
	vm7 =	vgt.f32 v38, v19;
	vm12 =	vgt.f32 v38, v20  }
0x43: {  	vm9 =	vgt.f32 v36, v22;
	v44 =	vsel vm6, v36, v29;
	v23 =	vsel vm4, v36, v24  }
0x44: {  	v24 =	vor.u32 s3, v1;
	v25 =	vsel vm9, v36, v22;
	vm8 =	vgt.f32 v35, v34  }
0x45: {  	v36 =	vsel vm6, v29, v25;
	v45 =	vsel vm9, v22, v23;
	v11 =	vsel vm8, v33, v5;
	v22 =	vld [tilespmem:s2+$0x10]  }
0x46: {  	v23 =	vsel vm8, v35, v34;
	vm10 =	vgt.f32 v21, v17;
	vm5 =	vgt.f32 v43, v36  }
0x47: {  	vm13 =	vgt.f32 v21, v15;
	vm3 =	vgt.f32 v8, v23;
	v46 =	vsel vm5, v43, v36  }
0x48: {  	vm11 =	vgt.f32 v21, v18;
	v29 =	vsel vm10, v21, v17;
	v5 =	vsel vm3, v2, v11  }
0x49: {  	v4 =	vsel vm12, v28, v4;
	v31 =	vsel vm10, v41, v10;
	v15 =	vsel vm13, v21, v15;
	v25 =	vld [tilespmem:s2+$0x20]  }
0x4a: {  	v12 =	vsel vm13, v41, v12;
	vm13 =	vgt.f32 v38, v39;
	v47 =	vsel vm11, v9, v31  }
0x4b: {  	v48 =	vsel vm6, v24, v13;
	v15 =	vsel vm10, v17, v15;
	v17 =	vsel vm7, v28, v14  }
0x4c: {  	v10 =	vsel vm10, v10, v12;
	v28 =	vsel vm13, v28, v37;
	v12 =	vsel vm13, v37, v17  }
0x4d: {  	v4 =	vsel vm7, v14, v4;
	v31 =	vsel vm13, v38, v39;
	vm10 =	vgt.f32 v43, v45  }
0x4e: {  	v6 =	vsel vm4, v24, v6;
	v14 =	vsel vm7, v38, v19;
	v17 =	vsel vm12, v38, v20  }
0x4f: {  	v6 =	vsel vm9, v3, v6;
	v17 =	vsel vm7, v19, v17;
	vm12 =	vgt.f32 v22, v15  }
0x50: {  	v20 =	vsel vm13, v39, v14;
	v19 =	vsel vm11, v18, v29;
	vm4 =	vgt.f32 v25, v17  }
0x51: {  	v14 =	vsel vm11, v21, v18;
	v21 =	vsel vm4, v25, v17;
	v4 =	vsel vm4, v16, v4  }
0x52: {  	v6 =	vsel vm10, v40, v6;
	v15 =	vsel vm12, v22, v15;
	vm4 =	vgt.f32 v25, v20  }
0x53: {  	vm13 =	vgt.f32 v22, v14;
	vm7 =	vgt.f32 v25, v31;
	v4 =	vsel vm4, v12, v4  }
0x54: {  	vm14 =	vgt.f32 v22, v19;
	v18 =	vsel vm13, v22, v14;
	v37 =	vsel vm4, v25, v20  }
0x55: {  	v3 =	vsel vm9, v24, v3;
	v29 =	vsel vm11, v41, v9;
	v24 =	vsel vm12, v42, v10  }
0x56: {  	v38 =	vsel vm6, v13, v3;
	v9 =	vsel vm13, v42, v29;
	v15 =	vsel vm14, v19, v15  }
0x57: {  	vm6 =	vgt.f32 v43, v44;
	v3 =	vsel vm5, v40, v38;
	v39 =	vsel vm4, v16, v12  }
0x58: {  	v3 =	vsel vm6, v48, v3;
	v10 =	vsel vm14, v22, v19;
	v12 =	vsel vm14, v42, v47  }
0x59: {  	v17 =	vsel vm13, v14, v10;
	v10 =	vsel vm13, v29, v12;
	v12 =	vsel vm14, v47, v24  }
0x5a: {  	v13 =	vsel vm6, v40, v48;
	v22 =	vsel vm6, v44, v46;
	v29 =	vsel vm6, v43, v44  }
0x5b: {  	vm9 =	vgt.f32 v35, v7;
	v6 =	vsel vm5, v38, v6;
	v19 =	vsel vm10, v43, v45  }
0x5c: {  	vm6 =	vgt.f32 v35, v30;
	v14 =	vsel vm7, v28, v39;
	v24 =	vsel vm5, v36, v19  }
.Ltmp0:
0x5d: {  	v36 =	vsel vm9, v35, v7;
	v19 =	vsel vm7, v31, v37;
	v35 =	vsel vm6, v35, v30;
	(pc) =	sbr.rel @p1 .LBB2_2-.Ltmp0, $4  }
0x5e: {  	v30 =	vsel vm8, v34, v36;
	v34 =	vsel vm6, v33, v32;
	v7 =	vsel vm9, v7, v35  }
0x5f: {  	v32 =	vsel vm9, v33, v27;
	vm5 =	vgt.f32 v8, v30;
	vm6 =	vgt.f32 v8, v7  }
0x60: {  	v32 =	vsel vm8, v26, v32;
	v35 =	vsel vm5, v8, v30;
	v33 =	vsel vm6, v8, v7  }
0x61: {  	s2 =	sadd.s32 $0x80, s2;
	v26 =	vsel vm9, v27, v34;
	v27 =	vsel vm5, v2, v32;
	v7 =	vsel vm3, v23, v35  }
0x62: {  	v8 =	vsel vm3, v8, v23  }
0x63: {  	v45 =	vsel vm7, v25, v31;
	v46 =	vmax.f32 v8, v18  }
0x64: {  	v25 =	vmax.f32 v46, v45  }
0x65: {  	v25 =	vmax.f32 v25, v29  }
0x66: {  	(xrf0) =	vmax.scan.msk.f32 $0xffff, v25;
	_ =	sdelay $0x5  }
0x67: {  	v25, _, _ =	vpop (xrf0)  }
0x68: {  	v25 =	vbroadcast v25, $0xF  }
0x69: {  	vm8 =	vlt.s32 v5, $0x40000000  }
0x6a: {  	v47 =	vnsel vm8, $0x40000000, v5;
	vm9 =	veq.f32 v8, v25  }
0x6b: {  	v31 =	vnsel vm9, $0x40000000, v47  }
0x6c: {  	v16 =	vsel vm7, v16, v28;
	vm13 =	vlt.s32 v31, v9  }
0x6d: {  	vm14 =	veq.f32 v18, v25;
	vm15 =	veq.f32 v45, v25;
	v48 =	vsel vm13, v31, v9  }
0x6e: {  	v49 =	vnsel vm15, $0x40000000, v16;
	v28 =	vsel vm14, v48, v31  }
0x6f: {  	vm11 =	veq.f32 v29, v25;
	vm10 =	vlt.s32 v28, v49  }
0x70: {  	v51 =	vnsel vm11, $0x40000000, v13;
	v50 =	vsel vm10, v28, v49  }
0x71: {  	vm10 =	vlt.s32 v50, v51  }
0x72: {  	v25 =	vsel vm10, v50, v51  }
0x73: {  	v25 =	vxor.u32 $0x80000000, v25  }
0x74: {  	(xrf0) =	vmin.scan.msk.u32 $0xffff, v25;
	_ =	sdelay $0x5  }
0x75: {  	v25, _, _ =	vpop (xrf0)  }
0x76: {  	(v2sf) =	vpush v25, $0xF;
	_ =	sdelay $0xe  }
0x77: {  	s0 =	spop (v2sf)  }
0x78: {  	s0 =	sxor.u32 $0x80000000, s0  }
0x79: {  	vm12 =	veq.s32 v5, s0  }
0x7a: {  	vm13 =	veq.s32 v9, s0;
	vm10 =	vmand vm9, vm12  }
0x7b: {  	vm8 =	vmand vm14, vm13;
	vm14 =	veq.s32 v16, s0;
	v8 =	vsel vm10, v7, v8  }
0x7c: {  	v52 =	vsel vm8, v17, v18;
	vm9 =	vmand vm15, vm14;
	vm15 =	veq.s32 v13, s0  }
0x7d: {  	v23 =	vsel vm9, v19, v45;
	vm7 =	vmand vm11, vm15;
	v53 =	vmax.f32 v8, v52  }
0x7e: {  	v54 =	vsel vm7, v22, v29;
	v25 =	vmax.f32 v53, v23  }
0x7f: {  	v25 =	vmax.f32 v25, v54  }
0x80: {  	(xrf0) =	vmax.scan.msk.f32 $0xffff, v25;
	_ =	sdelay $0x5  }
0x81: {  	v11 =	vsel vm3, v11, v27;
	v25, _, _ =	vpop (xrf0)  }
0x82: {  	v5 =	vsel vm10, v11, v5;
	v25 =	vbroadcast v25, $0xF  }
0x83: {  	vm3 =	vlt.s32 v5, $0x40000000  }
0x84: {  	v55 =	vnsel vm3, $0x40000000, v5;
	vm11 =	veq.f32 v8, v25  }
0x85: {  	v9 =	vsel vm8, v10, v9;
	v27 =	vnsel vm11, $0x40000000, v55  }
0x86: {  	v16 =	vsel vm9, v14, v16;
	vm3 =	vlt.s32 v27, v9  }
0x87: {  	vm12 =	veq.f32 v52, v25;
	v56 =	vsel vm3, v27, v9;
	vm3 =	veq.f32 v23, v25  }
0x88: {  	v27 =	vsel vm12, v56, v27;
	v57 =	vnsel vm3, $0x40000000, v16  }
0x89: {  	v58 =	vsel vm7, v3, v13;
	vm14 =	veq.f32 v54, v25;
	vm13 =	vlt.s32 v27, v57  }
0x8a: {  	v60 =	vnsel vm14, $0x40000000, v58;
	v59 =	vsel vm13, v27, v57  }
0x8b: {  	vm13 =	vlt.s32 v59, v60  }
0x8c: {  	v25 =	vsel vm13, v59, v60  }
0x8d: {  	v25 =	vxor.u32 $0x80000000, v25  }
0x8e: {  	(xrf0) =	vmin.scan.msk.u32 $0xffff, v25;
	_ =	sdelay $0x5  }
0x8f: {  	v25, _, _ =	vpop (xrf0)  }
0x90: {  	(v2sf) =	vpush v25, $0xF;
	_ =	sdelay $0xe  }
0x91: {  	v61 =	vsel vm5, v30, v33;
	s1 =	spop (v2sf)  }
0x92: {  	v20 =	vsel vm4, v20, v21;
	v7 =	vsel vm10, v61, v7;
	s1 =	sxor.u32 $0x80000000, s1  }
0x93: {  	v15 =	vsel vm8, v15, v17;
	vm4 =	veq.s32 v5, s1;
	vm13 =	veq.s32 v9, s1  }
0x94: {  	vm4 =	vmand vm11, vm4;
	vm11 =	vmand vm12, vm13;
	vm12 =	veq.s32 v16, s1  }
0x95: {  	v62 =	vsel vm9, v20, v19;
	v63 =	vsel vm7, v24, v22;
	vm12 =	vmand vm3, vm12  }
0x96: {  	vm3 =	veq.s32 v58, s1;
	v7 =	vsel vm4, v7, v8;
	v8 =	vsel vm11, v15, v52  }
0x97: {  	vm3 =	vmand vm14, vm3;
	v17 =	vsel vm12, v62, v23;
	v18 =	vmax.f32 v7, v8  }
0x98: {  	v15 =	vsel vm3, v63, v54;
	v18 =	vmax.f32 v18, v17  }
0x99: {  	v18 =	vmax.f32 v18, v15  }
0x9a: {  	(xrf0) =	vmax.scan.msk.f32 $0xffff, v18;
	_ =	sdelay $0x3  }
0x9b: {  	v2 =	vsel vm6, v2, v26  }
0x9c: {  	v2 =	vsel vm5, v32, v2  }
0x9d: {  	v2 =	vsel vm10, v2, v11;
	v11, _, _ =	vpop (xrf0)  }
0x9e: {  	v2 =	vsel vm4, v2, v5;
	v5 =	vbroadcast v11, $0xF  }
0x9f: {  	vm4 =	vlt.s32 v2, $0x40000000  }
0xa0: {  	v10 =	vsel vm8, v12, v10;
	v2 =	vnsel vm4, $0x40000000, v2;
	vm10 =	veq.f32 v7, v5  }
0xa1: {  	v4 =	vsel vm9, v4, v14;
	v7 =	vsel vm11, v10, v9;
	v2 =	vnsel vm10, $0x40000000, v2  }
0xa2: {  	v4 =	vsel vm12, v4, v16;
	vm4 =	vlt.s32 v2, v7  }
0xa3: {  	vm13 =	veq.f32 v8, v5;
	vm14 =	veq.f32 v17, v5;
	v7 =	vsel vm4, v2, v7  }
0xa4: {  	v3 =	vsel vm7, v6, v3;
	v4 =	vnsel vm14, $0x40000000, v4;
	v2 =	vsel vm13, v7, v2  }
0xa5: {  	v3 =	vsel vm3, v3, v58;
	vm15 =	veq.f32 v15, v5;
	vm3 =	vlt.s32 v2, v4  }
0xa6: {  	v3 =	vnsel vm15, $0x40000000, v3;
	v2 =	vsel vm3, v2, v4  }
0xa7: {  	vm3 =	vlt.s32 v2, v3  }
0xa8: {  	v2 =	vsel vm3, v2, v3  }
0xa9: {  	v2 =	vxor.u32 $0x80000000, v2  }
0xaa: {  	(xrf0) =	vmin.scan.msk.u32 $0xffff, v2;
	_ =	sdelay $0x5  }
0xab: {  	v2, _, _ =	vpop (xrf0)  }
0xac: {  	(v2sf) =	vpush v2, $0xF;
	_ =	sdelay $0xe  }
0xad: {  	s3 =	sadd.s32 s8, s0;
	s2 =	spop (v2sf)  }
0xae: {  	s16 =	sadd.s32 s8, s1;
	vm3 =	veq.s32 v1, $0x1;
	v2 =	vmov s3;
	s2 =	sxor.u32 $0x80000000, s2  }
0xaf: {  	v2 =	vsel vm3, s16, v2;
	vm3 =	veq.s32 v1, $0x2;
	s21 =	sadd.s32 s8, s2  }
0xb0: {  	s22 =	sadd.s32 s10, s0;
	v2 =	vsel vm3, s21, v2;
	vm3 =	veq.s32 v1, $0x3  }
0xb1: {  	s23 =	sadd.s32 s10, s1;
	v2 =	vsel vm3, s22, v2;
	vm3 =	veq.s32 v1, $0x4  }
0xb2: {  	s29 =	sadd.s32 s10, s2;
	v2 =	vsel vm3, s23, v2;
	vm3 =	veq.s32 v1, $0x5  }
0xb3: {  	s18 =	simm.s32 $0x4000;
	v2 =	vsel vm3, s29, v2  }
0xb4: {  	[tilespmem:v1+s18+$0x0] =	vst.idx.msk $0xff, v2  }
0xb5: {  	v2 =	vld.msk [tilespmem:$0x4000], $0xff;
	_ =	sdelay $0x4  }
0xb6: {  	v3 =	vshll.u32 v2, $0x1  }
0xb7: {  	v2 =	vand.u32 $0x7, v2;
	v3 =	vand.u32 $0xFFFFFFF0, v3  }
0xb8: {  	v4 =	vshrl.u32 v1, $0x3;
	v2 =	vor.u32 v2, v3;
	v3 =	vand.u32 $0x7, v1  }
0xb9: {  	v4 =	vmul.u32 $0x8, v4;
	v2 =	vperm.xlane v2, v3;
	_ =	sdelay $0x1  }
0xba: {  	v2 =	vadd.s32 v4, v2;
	_ =	sdelay $0x3  }
0xbb: {  	s21 =	simm.s32 $0x0;
	s22 =	rddreg [dreg:$0x4];
	vm3 =	vmmov $0xffff;
	s18 =	simm.s32 $0x4080  }
0xbc: {  	[tilespmem:s18], [sflag:$0x5] =	stream.indirect_vreg.gather [hbm4b:s22+s21], $0x80, v2, vm3, $0xb8;
	[tilespmem:$0x5100] =	vst v63  }
0xbd: {  	v2 =	vld.msk [tilespmem:$0x4000], $0xff;
	_ =	sdelay $0x4  }
0xbe: {  	v5 =	vshll.u32 v2, $0x1  }
0xbf: {  	v2 =	vand.u32 $0x7, v2;
	v5 =	vand.u32 $0xFFFFFFF0, v5  }
0xc0: {  	v2 =	vor.u32 v2, v5  }
0xc1: {  	v2 =	vperm.xlane v2, v3;
	_ =	sdelay $0x1  }
0xc2: {  	v2 =	vadd.s32 v4, v2;
	_ =	sdelay $0x3  }
0xc3: {  	s23 =	rddreg [dreg:$0x5];
	s29 =	simm.s32 $0x4880;
	v3 =	vmov s1  }
0xc4: {  	[tilespmem:s29], [sflag:$0x6] =	stream.indirect_vreg.gather [hbm4b:s23+s21], $0x80, v2, vm3, $0xb8;
	v2 =	vsel vm0, s2, v3;
	vm3 =	veq.s32 v1, $0x0;
	[tilespmem:$0x5100] =	vst v63  }
0xc5: {  	_ =	swait.ge [sflag:s24], $0x1000;
	v2 =	vsel vm3, s0, v2  }
0xc6: {  	[sflag:s24] =	ssyncset.done $0x0;
	v2 =	vadd.s32 v0, v2  }
0xc7: {  	[sflag:s24] =	ssyncadd.s32 $0xFFFFF000  }
0xc8: {  	_ =	swait.ge [sflag:s25], $0x1000  }
0xc9: {  	[sflag:s25] =	ssyncset.done $0x0  }
0xca: {  	s16 =	sand.u32 $0xFFFFFC00, s21;
	s18 =	sand.u32 $0x400, s21;
	[sflag:s25] =	ssyncadd.s32 $0xFFFFF000  }
0xcb: {  	s21 =	simm.s32 $0x0;
	s23 =	simm.s32 $0x80;
	v2 =	vld.idx.msk [tilespmem:v2+s17+$0x0], $0xffff;
	_ =	swait.ge [sflag:s26], $0x800  }
0xcc: {  	s0 =	sadd.s32 $0x0, s16;
	s2 =	sand.u32 $0x70, s21;
	[sflag:s26] =	ssyncset.done $0x0  }
0xcd: {  	s29 =	sand.u32 $0xFFFFFC00, s23;
	s22 =	sor.u32 $0x180, s0;
	[sflag:s26] =	ssyncadd.s32 $0xFFFFF800  }
0xce: {  	s1 =	sor.u32 s2, s18;
	s16 =	sadd.s32 $0x4080, s22;
	_ =	swait.ge [sflag:s28], $0x800  }
0xcf: {  	s3 =	sadd.s32 $0x4880, s22;
	s2 =	sor.u32 $0x4280, s1;
	[sflag:s28] =	ssyncset.done $0x0  }
0xd0: {  	s3 =	smov.u32 @p0 s16;
	s16 =	sor.u32 $0x4A80, s1;
	[sflag:s28] =	ssyncadd.s32 $0xFFFFF800  }
0xd1: {  	s21 =	sor.u32 $0x80, s0;
	s0 =	sor.u32 $0x280, s0;
	s16 =	smov.u32 @p0 s2;
	v4 =	vld [tilespmem:s3+$0x0]  }
0xd2: {  	s18 =	simm.s32 $0x10;
	v9 =	vld [tilespmem:s16+$0x0];
	s3 =	sadd.s32 $0x4080, s0;
	s0 =	sadd.s32 $0x4880, s0  }
0xd3: {  	s2 =	sor.u32 $0x4080, s1;
	s16 =	sor.u32 $0x4880, s1;
	s0 =	smov.u32 @p0 s3  }
0xd4: {  	s22 =	sadd.s32 $0x4080, s21;
	s16 =	smov.u32 @p0 s2;
	s2 =	sadd.s32 $0x4880, s21;
	v5 =	vld [tilespmem:s0+$0x0]  }
0xd5: {  	s3 =	sor.u32 $0x4180, s1;
	s21 =	sor.u32 $0x4980, s1;
	v6 =	vld [tilespmem:s16+$0x0];
	s2 =	smov.u32 @p0 s22  }
0xd6: {  	s1 =	simm.s32 $0xFFFFFF10;
	s21 =	smov.u32 @p0 s3;
	s0 =	simm.s32 $0x10;
	v8 =	vld [tilespmem:s2+$0x0]  }
0xd7: {  	v3 =	vimm.f32 $0.0e+00;
	s16 =	sand.u32 $0x400, s23;
	s3 =	sadd.s32 $0x10, s29;
	v7 =	vld [tilespmem:s21+$0x0];
	s2 =	simm.s32 $0x100;
	v9 =	vadd.f32 v9, v4;
	v4 =	vimm.f32 $0.0e+00  }
.LBB2_4:
0xd8: {  	p1 =	sne.s32 s2, $0x780  }
0xd9: {  	s18 =	sand.u32 $0x70, s18;
	s21 =	sor.u32 $0x180, s3;
	v5 =	vadd.f32 v5, v9;
	s23 =	sor.u32 $0x80, s3  }
0xda: {  	s16 =	sor.u32 s18, s16;
	s18 =	sadd.s32 $0x4080, s21;
	s21 =	sadd.s32 $0x4880, s21  }
0xdb: {  	s21 =	smov.u32 @p0 s18;
	s18 =	sor.u32 $0x4280, s16;
	s22 =	sor.u32 $0x4A80, s16;
	v6 =	vadd.f32 v8, v6;
	v5 =	vmul.f32 $3.333333430e-01, v5  }
0xdc: {  	s3 =	sor.u32 $0x280, s3;
	s29 =	sadd.s32 $0x4080, s23;
	v9 =	vld [tilespmem:s21+$0x0];
	s22 =	smov.u32 @p0 s18  }
0xdd: {  	s18 =	sor.u32 $0x4080, s16;
	s21 =	sadd.s32 $0x4080, s3;
	s3 =	sadd.s32 $0x4880, s3;
	v10 =	vld [tilespmem:s22+$0x0];
	v6 =	vadd.f32 v7, v6;
	v7 =	vmul.f32 v5, v5  }
0xde: {  	s22 =	sor.u32 $0x4880, s16;
	s3 =	smov.u32 @p0 s21;
	s21 =	sor.u32 $0x4180, s16  }
.Ltmp1:
0xdf: {  	s22 =	smov.u32 @p0 s18;
	s18 =	sadd.s32 $0x4880, s23;
	v5 =	vld [tilespmem:s3+$0x0];
	v11 =	vmul.f32 $3.333333430e-01, v6;
	v3 =	vadd.f32 v7, v3;
	(pc) =	sbr.rel @p1 .LBB2_4-.Ltmp1, $4  }
0xe0: {  	s18 =	smov.u32 @p0 s29;
	s3 =	sor.u32 $0x4980, s16;
	v6 =	vld [tilespmem:s22+$0x0]  }
0xe1: {  	s0 =	sadd.s32 $0x10, s0;
	s3 =	smov.u32 @p0 s21;
	v8 =	vld [tilespmem:s18+$0x0];
	v11 =	vmul.f32 v11, v11  }
0xe2: {  	s1 =	sadd.s32 $0x10, s1;
	s16 =	sand.u32 $0x400, s2;
	s18 =	sand.u32 $0xFFFFFC00, s2;
	v7 =	vld [tilespmem:s3+$0x0];
	v9 =	vadd.f32 v10, v9  }
0xe3: {  	s2 =	sadd.s32 $0x80, s2;
	s3 =	sadd.s32 s18, s0;
	s18 =	sadd.s32 $0x100, s1;
	v4 =	vadd.f32 v11, v4  }
0xe4: {  	s0 =	sand.u32 $0x70, s18;
	s1 =	sor.u32 $0x180, s3  }
0xe5: {  	s29 =	sor.u32 $0x80, s3;
	s2 =	sadd.s32 $0x4080, s1;
	s1 =	sadd.s32 $0x4880, s1  }
0xe6: {  	vm3 =	vmmov $0x7;
	s0 =	sor.u32 s0, s16;
	s18 =	sadd.s32 $0x4880, s29;
	s1 =	smov.u32 @p0 s2  }
0xe7: {  	v2 =	vnsel vm3, $0x0, v2;
	s2 =	sor.u32 $0x4280, s0;
	s21 =	sor.u32 $0x4080, s0;
	s22 =	sor.u32 $0x4880, s0  }
0xe8: {  	s16 =	sor.u32 $0x4A80, s0;
	(xrf2) =	vadd.scan.msk.f32 $0xffff, v2;
	v10 =	vld [tilespmem:s1+$0x0];
	s22 =	smov.u32 @p0 s21;
	s1 =	sadd.s32 $0x4080, s29  }
0xe9: {  	s16 =	smov.u32 @p0 s2;
	v2 =	vld [tilespmem:s22+$0x0];
	s18 =	smov.u32 @p0 s1  }
0xea: {  	s2 =	sor.u32 $0x4180, s0;
	s0 =	sor.u32 $0x4980, s0;
	s22 =	sor.u32 $0x280, s3;
	v11 =	vld [tilespmem:s18+$0x0]  }
0xeb: {  	v12 =	vld [tilespmem:s16+$0x0];
	s0 =	smov.u32 @p0 s2;
	s3 =	sadd.s32 $0x4080, s22;
	s1 =	sadd.s32 $0x4880, s22  }
0xec: {  	v13 =	vld [tilespmem:s0+$0x0];
	s1 =	smov.u32 @p0 s3  }
0xed: {  	v6 =	vadd.f32 v8, v6;
	v59 =	vld [tilespmem:s1+$0x0];
	_ =	sdelay $0x1  }
0xee: {  	v6 =	vadd.f32 v7, v6;
	v2 =	vadd.f32 v11, v2  }
0xef: {  	v5 =	vadd.f32 v5, v9;
	v60 =	vadd.f32 v12, v10  }
0xf0: {  	v6 =	vmul.f32 $3.333333430e-01, v6;
	v2 =	vadd.f32 v13, v2  }
0xf1: {  	v5 =	vmul.f32 $3.333333430e-01, v5;
	v7 =	vadd.f32 v59, v60;
	v61, _, _ =	vpop (xrf2)  }
0xf2: {  	v6 =	vmul.f32 v6, v6;
	(v2sf) =	vpush v61, $0xF;
	v2 =	vmul.f32 $3.333333430e-01, v2  }
0xf3: {  	v5 =	vmul.f32 v5, v5;
	v7 =	vmul.f32 $3.333333430e-01, v7  }
0xf4: {  	v4 =	vadd.f32 v6, v4;
	v2 =	vmul.f32 v2, v2  }
0xf5: {  	v3 =	vadd.f32 v5, v3;
	v62 =	vmul.f32 v7, v7  }
0xf6: {  	v2 =	vadd.f32 v2, v4  }
0xf7: {  	v3 =	vadd.f32 v62, v3  }
0xf8: {  	(xrf2) =	vadd.scan.msk.f32 $0xffff, v2  }
0xf9: {  	(xrf2) =	vadd.scan.msk.f32 $0xffff, v3;
	_ =	sdelay $0x7  }
0xfa: {  	s23 =	spop (v2sf)  }
0xfb: {  	s0 =	smul.f32 $3.333333430e-01, s23;
	v2, _, _ =	vpop (xrf2)  }
0xfc: {  	v3, _, _ =	vpop (xrf2)  }
0xfd: {  	vm3 =	veq.s32 v1, $0x2;
	v63 =	vmov s0;
	v3 =	vbroadcast v3, $0xF  }
0xfe: {  	v2 =	vbroadcast v2, $0xF;
	v4 =	vnsel vm3, $0x0, v63  }
0xff: {  	s31 =	sadd.s32 $0x1, s31;
	v3 =	vsel vm1, v3, v4  }
0x100: {  	p1 =	sne.s32 s31, s12;
	v2 =	vsel vm2, v3, v2  }
.Ltmp2:
0x101: {  	s29 =	simm.s32 $0x5080;
	[tilespmem:$0x5080] =	vst v2;
	(pc) =	sbr.rel @p1 .LBB2_1-.Ltmp2, $4  }
0x102: {  	[hbm4b:s11+s4] =	stream.linear.scatter [tilespmem:s29], [sflag:$0x7], $0x80, $0x38;
	[tilespmem:$0x5100] =	vst v63  }
0x103: {  	_ =	swait.ge [sflag:s30], $0x80  }
0x104: {  	[sflag:s30] =	ssyncset.done $0x0  }
0x105: {  	[sflag:s30] =	ssyncadd.s32 $0xFFFFFF80  }
0x106: {  	_ =	sfence.sel $0x180000  }
0x107: {  	[bflag:$0x0] =	sbarrier.arrive $0xFFFF  }
0x108: {  	_ =	strace $0x90000047  }
0x109: {  	s0 =	stileid.u32;
	[bflag:$0x2] =	sbarrier.arrive $0xFFFF  }
0x10a: {  	p0 =	sne.s32 s0, $0x0;
	s0 =	rddreg [dreg:$0x7]  }
0x10b: {  	s0 =	sadd.s32 @!p0 $0x100000, s0  }
0x10c: {  	[sflag:s0] =	ssyncadd.tile.s32 @!p0 $0x1;
	_ =	shalt  }
.Lfunc_end2:
_tile_overlayer_lowered:
.L_overlay_start_2:
0x10d: {  	(tag) =	ssettag $0x2  }
0x10e: {  	s0 =	rddreg [dreg:$0x0];
	s2 =	stileid.u32  }
0x10f: {  	s1 =	rddreg [dreg:$0x1];
	p0 =	sne.s32 s2, $0x0  }
0x110: {  	s3 =	rddreg [dreg:$0x2];
	[bflag:$0x3] =	sbarrier.arrive $0xFFFF;
	s2 =	simm.s32 @!p0 $0x1C07  }
0x111: {  	[timem:s3], [sflag:s2] =	dma.local @!p0 [hbm:s0], s1  }
0x112: {  	s0 =	simm.s32 @!p0 $0x7  }
0x113: {  	_ =	swait.ge @!p0 [sflag:s0], s1  }
0x114: {  	s1 =	ssub.s32 @!p0 $0x0, s1;
	[sflag:s0] =	ssyncset.done @!p0 $0x0  }
0x115: {  	[sflag:s0] =	ssyncadd.s32 @!p0 s1  }
0x116: {  	[bflag:$0x3] =	sbarrier.arrive $0xFFFF  }
0x117: {  	_ =	shalt  }

</sc_bundles>
